<compile_context>
chip_gen: v7x
topology: tpu7x:2x2x1
jax: 0.10.2.dev20260603
libtpu: 0.0.44.dev20260713+nightly
codegen_flags: <defaults>
</compile_context>

<pallas_src>
import jax
import jax.numpy as jnp
from jax import lax
from jax.experimental import pallas as pl
from jax.experimental.pallas import tpu as pltpu
from jax.experimental.pallas import tpu_sc as plsc

INPUT_LEN = 1000000
NUM_OUTPUTS = 409600
NUM_WORKERS = 32
PER_TILE = NUM_OUTPUTS // NUM_WORKERS
LANES = 16
NVEC = PER_TILE // LANES

BLOCK = 512
WPB = BLOCK // 32
NBLK_FULL = INPUT_LEN // BLOCK
TAIL_VALS = INPUT_LEN - NBLK_FULL * BLOCK
NBLK = NBLK_FULL + 1
PACKED_WORDS = NBLK * WPB

BLK_MAIN = 126
CHUNK_BLKS = 42
NCHUNKS = BLK_MAIN // CHUNK_BLKS
CHUNK_VALS = CHUNK_BLKS * BLOCK
BLK_LAST = NBLK_FULL - 15 * BLK_MAIN
VALS_LAST = BLK_LAST * BLOCK + TAIL_VALS


def _pack_block(stage_v, packed_v, src_word, dst_word, nbits):
    acc = jnp.zeros((LANES,), jnp.int32)
    for b in range(nbits):
        v = stage_v[pl.ds(src_word + b * LANES, LANES)]
        w = (1 << b) if b < 31 else -(1 << 31)
        acc = acc | jnp.where(v >= 64, jnp.int32(w), jnp.int32(0))
    packed_v[pl.ds(dst_word, WPB)] = acc


def _sc_body(inp_hbm, idx_hbm, out_hbm,
             stage_v, packed_v, idx_v, out_v, shared_v,
             idx_sem, stage_sem):
    c = lax.axis_index("c")
    s = lax.axis_index("s")
    wid = s * 2 + c

    base = wid * PER_TILE
    idx_cp = pltpu.async_copy(idx_hbm.at[pl.ds(base, PER_TILE)], idx_v,
                              idx_sem)

    val0 = s * BLK_MAIN * BLOCK

    @pl.when(s < 15)
    def _():
        pltpu.async_copy(inp_hbm.at[pl.ds(val0, CHUNK_VALS)],
                         stage_v.at[pl.ds(0, CHUNK_VALS)],
                         stage_sem).wait()

        @pl.loop(0, NCHUNKS)
        def _(ch):
            buf = (ch % 2) * CHUNK_VALS
            nxt = ((ch + 1) % 2) * CHUNK_VALS

            @pl.when(ch < NCHUNKS - 1)
            def _():
                pltpu.async_copy(
                    inp_hbm.at[pl.ds(val0 + (ch + 1) * CHUNK_VALS,
                                     CHUNK_VALS)],
                    stage_v.at[pl.ds(nxt, CHUNK_VALS)], stage_sem)

            @plsc.parallel_loop(0, CHUNK_BLKS, unroll=2)
            def _(g):
                _pack_block(stage_v, packed_v, buf + g * BLOCK,
                            (ch * CHUNK_BLKS + g) * WPB, 32)

            @pl.when(ch < NCHUNKS - 1)
            def _():
                pltpu.make_async_copy(
                    inp_hbm.at[pl.ds(val0 + (ch + 1) * CHUNK_VALS,
                                     CHUNK_VALS)],
                    stage_v.at[pl.ds(nxt, CHUNK_VALS)], stage_sem).wait()

    @pl.when(s == 15)
    def _():
        pltpu.async_copy(inp_hbm.at[pl.ds(val0, VALS_LAST)],
                         stage_v.at[pl.ds(0, VALS_LAST)], stage_sem).wait()

        @plsc.parallel_loop(0, BLK_LAST)
        def _(g):
            _pack_block(stage_v, packed_v, g * BLOCK, g * WPB, 32)

        _pack_block(stage_v, packed_v, BLK_LAST * BLOCK, BLK_LAST * WPB,
                    TAIL_VALS // LANES)

    word0 = s * (BLK_MAIN * WPB)

    @pl.when(s < 15)
    def _():
        pltpu.sync_copy(packed_v.at[pl.ds(0, BLK_MAIN * WPB)],
                        shared_v.at[pl.ds(word0, BLK_MAIN * WPB)])

    @pl.when(s == 15)
    def _():
        pltpu.sync_copy(packed_v.at[pl.ds(0, (BLK_LAST + 1) * WPB)],
                        shared_v.at[pl.ds(word0, (BLK_LAST + 1) * WPB)])

    plsc.subcore_barrier()
    pltpu.sync_copy(shared_v, packed_v)

    idx_cp.wait()

    @plsc.parallel_loop(0, NVEC, unroll=4)
    def _(i):
        iv = idx_v[pl.ds(i * LANES, LANES)]
        wordpos = ((iv >> 9) << 4) | (iv & 15)
        bit = (iv >> 4) & 31
        w = plsc.load_gather(packed_v, [wordpos])
        out_v[pl.ds(i * LANES, LANES)] = (w >> bit) & 1

    pltpu.sync_copy(out_v, out_hbm.at[pl.ds(base, PER_TILE)])


@jax.jit
def kernel(inputs, indices):
    mesh = plsc.VectorSubcoreMesh(core_axis_name="c", subcore_axis_name="s")
    call = pl.kernel(
        _sc_body,
        out_type=jax.ShapeDtypeStruct((NUM_OUTPUTS,), jnp.int32),
        mesh=mesh,
        scratch_types=[
            pltpu.VMEM((2 * CHUNK_VALS,), jnp.int32),
            pltpu.VMEM((PACKED_WORDS,), jnp.int32),
            pltpu.VMEM((PER_TILE,), jnp.int32),
            pltpu.VMEM((PER_TILE,), jnp.int32),
            pltpu.VMEM_SHARED((PACKED_WORDS,), jnp.int32),
            pltpu.SemaphoreType.DMA,
            pltpu.SemaphoreType.DMA,
        ],
        compiler_params=pltpu.CompilerParams(needs_layout_passes=False),
    )
    return call(inputs, indices).astype(jnp.bool_)

# --- scband reference (transcript-rebuilt; emitter-appended) ---
"""Pipeline reference for scband-binary-input-layer-56367150793329 (READ-ONLY COPY).

The authoritative reference and input builder live on the scoring server;
editing this copy changes nothing except your own understanding.
"""

import jax, jax.numpy as jnp
import numpy as np

INPUT_LEN = 1000000
NUM_OUTPUTS = 409600

def setup_inputs(seed: int = 0) -> dict:
    key = jax.random.key(seed)
    k1, k2 = jax.random.split(key)
    # inputs emulate tf.uint8 byte values in [0, 256)
    inputs = jax.random.randint(k1, (INPUT_LEN,), 0, 256, dtype=jnp.int32)
    # indices are created once in BinaryInputLayer.build via tf.random.uniform,
    # i.e. they behave like a fixed (non-trainable) parameter of the layer.
    indices = jax.random.randint(k2, (NUM_OUTPUTS,), 0, INPUT_LEN, dtype=jnp.int32)
    return {"inputs": inputs, "indices": indices}

def reference(inputs, indices):
    # x = tf.gather(inputs, self.indices)
    x = jnp.take(inputs, indices, axis=0)
    # return tf.greater_equal(x, tf.constant([64], dtype=tf.uint8))
    return jnp.greater_equal(x, 64)

if __name__ == "__main__":
    import jax
    _d = setup_inputs()
    print(jax.jit(kernel)(*tuple(_d.values())))

</pallas_src>

<mosaic_0001>
#map = affine_map<(d0, d1) -> (0)>
module attributes {stable_mosaic.version = 14 : i64} {
  func.func @_sc_body(%arg0: i32, %arg1: i32, %arg2: memref<1000000xi32, #tpu.memory_space<hbm>>, %arg3: memref<409600xi32, #tpu.memory_space<hbm>>, %arg4: memref<409600xi32, #tpu.memory_space<hbm>>, %arg5: memref<43008xi32, #tpu.memory_space<vmem>>, %arg6: memref<31264xi32, #tpu.memory_space<vmem>>, %arg7: memref<12800xi32, #tpu.memory_space<vmem>>, %arg8: memref<12800xi32, #tpu.memory_space<vmem>>, %arg9: memref<31264xi32, #tpu.memory_space<vmem_shared>>, %arg10: memref<!tpu.dma_semaphore, #tpu.memory_space<semaphore_mem>>, %arg11: memref<!tpu.dma_semaphore, #tpu.memory_space<semaphore_mem>>) attributes {dimension_semantics = [#tpu.dimension_semantics<core_parallel>, #tpu.dimension_semantics<subcore_parallel>], iteration_bounds = array<i64: 2, 16>, scalar_prefetch = 0 : i64, scratch_operands = 7 : i64, tpu.core_type = #tpu.core_type<sc_vector_subcore>, window_params = [{transform_indices = #map}, {transform_indices = #map}, {transform_indices = #map}]} {
    %mul3A = arith.constant 2 : i32
    %mul3A_0 = arith.muli %arg1, %mul3A : i32
    %add3A = arith.addi %mul3A_0, %arg0 : i32
    %mul3A_1 = arith.constant 12800 : i32
    %mul3A_2 = arith.muli %add3A, %mul3A_1 : i32
    %dma_start3A = tpu.memref_slice %arg3[%mul3A_2] : memref<409600xi32, #tpu.memory_space<hbm>> -> memref<12800xi32, #tpu.memory_space<hbm>>
    %dma_start3A_3 = tpu.memref_slice %arg3[%mul3A_2] : memref<409600xi32, #tpu.memory_space<hbm>> -> memref<12800xi32, #tpu.memory_space<hbm>>
    tpu.enqueue_dma source(%dma_start3A_3 : memref<12800xi32, #tpu.memory_space<hbm>>) target(%arg7 : memref<12800xi32, #tpu.memory_space<vmem>>) target_semaphore(%arg10 : memref<!tpu.dma_semaphore, #tpu.memory_space<semaphore_mem>>)
    %mul3A_4 = arith.constant 126 : i32
    %mul3A_5 = arith.muli %arg1, %mul3A_4 : i32
    %mul3A_6 = arith.constant 512 : i32
    %mul3A_7 = arith.muli %mul3A_5, %mul3A_6 : i32
    %lt3A = arith.constant 15 : i32
    %lt3A_8 = arith.cmpi slt, %arg1, %lt3A : i32
    %convert_element_type3A = arith.extui %lt3A_8 : i1 to i32
    %cond3A = arith.constant 0 : i32
    %cond3A_9 = arith.cmpi ne, %convert_element_type3A, %cond3A : i32
    scf.if %cond3A_9 {
      %dma_start3A_29 = arith.constant 0 : i32
      %dma_start3A_30 = tpu.memref_slice %arg5[%dma_start3A_29] : memref<43008xi32, #tpu.memory_space<vmem>> -> memref<21504xi32, #tpu.memory_space<vmem>>
      %dma_start3A_31 = tpu.memref_slice %arg2[%mul3A_7] : memref<1000000xi32, #tpu.memory_space<hbm>> -> memref<21504xi32, #tpu.memory_space<hbm>>
      %dma_start3A_32 = arith.constant 0 : i32
      %dma_start3A_33 = tpu.memref_slice %arg5[%dma_start3A_32] : memref<43008xi32, #tpu.memory_space<vmem>> -> memref<21504xi32, #tpu.memory_space<vmem>>
      %dma_start3A_34 = tpu.memref_slice %arg2[%mul3A_7] : memref<1000000xi32, #tpu.memory_space<hbm>> -> memref<21504xi32, #tpu.memory_space<hbm>>
      tpu.enqueue_dma source(%dma_start3A_34 : memref<21504xi32, #tpu.memory_space<hbm>>) target(%dma_start3A_33 : memref<21504xi32, #tpu.memory_space<vmem>>) target_semaphore(%arg11 : memref<!tpu.dma_semaphore, #tpu.memory_space<semaphore_mem>>)
      %dma_wait3A_35 = arith.constant 0 : i32
      %dma_wait3A_36 = tpu.memref_slice %arg5[%dma_wait3A_35] : memref<43008xi32, #tpu.memory_space<vmem>> -> memref<21504xi32, #tpu.memory_space<vmem>>
      %dma_wait3A_37 = tpu.memref_slice %arg2[%mul3A_7] : memref<1000000xi32, #tpu.memory_space<hbm>> -> memref<21504xi32, #tpu.memory_space<hbm>>
      %dma_wait3A_38 = arith.constant 0 : i32
      %dma_wait3A_39 = tpu.memref_slice %arg5[%dma_wait3A_38] : memref<43008xi32, #tpu.memory_space<vmem>> -> memref<21504xi32, #tpu.memory_space<vmem>>
      %dma_wait3A_40 = tpu.memref_slice %arg2[%mul3A_7] : memref<1000000xi32, #tpu.memory_space<hbm>> -> memref<21504xi32, #tpu.memory_space<hbm>>
      tpu.wait_dma2 semaphore(%arg11 : memref<!tpu.dma_semaphore, #tpu.memory_space<semaphore_mem>>) src(%dma_wait3A_40 : memref<21504xi32, #tpu.memory_space<hbm>>) dst(%dma_wait3A_39 : memref<21504xi32, #tpu.memory_space<vmem>>)
      %scan3A = arith.constant 0 : i32
      %scan3A_41 = arith.constant 3 : i32
      %scan3A_42 = arith.addi %scan3A, %scan3A_41 : i32
      %scan3A_43 = arith.constant 1 : i32
      scf.for %scan3A_45 = %scan3A to %scan3A_42 step %scan3A_43  : i32 {
        %mul3A_46 = arith.constant 1 : i32
        %mul3A_47 = arith.muli %scan3A_45, %mul3A_46 : i32
        %add3A_48 = arith.constant 0 : i32
        %add3A_49 = arith.addi %add3A_48, %mul3A_47 : i32
        %jit3A = arith.constant 2 : i32
        %eq3A_50 = arith.constant 0 : i32
        %eq3A_51 = arith.cmpi eq, %jit3A, %eq3A_50 : i32
        %jit3A_52 = arith.constant 1 : i32
        %select_n3A = arith.select %eq3A_51, %jit3A_52, %jit3A : i32
        %rem3A = arith.remsi %add3A_49, %select_n3A : i32
        %ne3A = arith.constant 0 : i32
        %ne3A_53 = arith.cmpi ne, %rem3A, %ne3A : i32
        %lt3A_54 = arith.constant 0 : i32
        %lt3A_55 = arith.cmpi slt, %rem3A, %lt3A_54 : i32
        %lt3A_56 = arith.constant 0 : i32
        %lt3A_57 = arith.cmpi slt, %select_n3A, %lt3A_56 : i32
        %ne3A_58 = arith.xori %lt3A_55, %lt3A_57 : i1
        %and3A = arith.andi %ne3A_58, %ne3A_53 : i1
        %add3A_59 = arith.addi %rem3A, %select_n3A : i32
        %select_n3A_60 = arith.select %and3A, %add3A_59, %rem3A : i32
        %mul3A_61 = arith.constant 21504 : i32
        %mul3A_62 = arith.muli %select_n3A_60, %mul3A_61 : i32
        %add3A_63 = arith.constant 1 : i32
        %add3A_64 = arith.addi %add3A_49, %add3A_63 : i32
        %jit3A_65 = arith.constant 2 : i32
        %eq3A_66 = arith.constant 0 : i32
        %eq3A_67 = arith.cmpi eq, %jit3A_65, %eq3A_66 : i32
        %jit3A_68 = arith.constant 1 : i32
        %select_n3A_69 = arith.select %eq3A_67, %jit3A_68, %jit3A_65 : i32
        %rem3A_70 = arith.remsi %add3A_64, %select_n3A_69 : i32
        %ne3A_71 = arith.constant 0 : i32
        %ne3A_72 = arith.cmpi ne, %rem3A_70, %ne3A_71 : i32
        %lt3A_73 = arith.constant 0 : i32
        %lt3A_74 = arith.cmpi slt, %rem3A_70, %lt3A_73 : i32
        %lt3A_75 = arith.constant 0 : i32
        %lt3A_76 = arith.cmpi slt, %select_n3A_69, %lt3A_75 : i32
        %ne3A_77 = arith.xori %lt3A_74, %lt3A_76 : i1
        %and3A_78 = arith.andi %ne3A_77, %ne3A_72 : i1
        %add3A_79 = arith.addi %rem3A_70, %select_n3A_69 : i32
        %select_n3A_80 = arith.select %and3A_78, %add3A_79, %rem3A_70 : i32
        %mul3A_81 = arith.constant 21504 : i32
        %mul3A_82 = arith.muli %select_n3A_80, %mul3A_81 : i32
        %lt3A_83 = arith.constant 2 : i32
        %lt3A_84 = arith.cmpi slt, %add3A_49, %lt3A_83 : i32
        %convert_element_type3A_85 = arith.extui %lt3A_84 : i1 to i32
        %cond3A_86 = arith.constant 0 : i32
        %cond3A_87 = arith.cmpi ne, %convert_element_type3A_85, %cond3A_86 : i32
        scf.if %cond3A_87 {
          %add3A_96 = arith.constant 1 : i32
          %add3A_97 = arith.addi %add3A_49, %add3A_96 : i32
          %mul3A_98 = arith.constant 21504 : i32
          %mul3A_99 = arith.muli %add3A_97, %mul3A_98 : i32
          %add3A_100 = arith.addi %mul3A_7, %mul3A_99 : i32
          %dma_start3A_101 = tpu.memref_slice %arg5[%mul3A_82] : memref<43008xi32, #tpu.memory_space<vmem>> -> memref<21504xi32, #tpu.memory_space<vmem>>
          %dma_start3A_102 = tpu.memref_slice %arg2[%add3A_100] : memref<1000000xi32, #tpu.memory_space<hbm>> -> memref<21504xi32, #tpu.memory_space<hbm>>
          %dma_start3A_103 = tpu.memref_slice %arg5[%mul3A_82] : memref<43008xi32, #tpu.memory_space<vmem>> -> memref<21504xi32, #tpu.memory_space<vmem>>
          %dma_start3A_104 = tpu.memref_slice %arg2[%add3A_100] : memref<1000000xi32, #tpu.memory_space<hbm>> -> memref<21504xi32, #tpu.memory_space<hbm>>
          tpu.enqueue_dma source(%dma_start3A_104 : memref<21504xi32, #tpu.memory_space<hbm>>) target(%dma_start3A_103 : memref<21504xi32, #tpu.memory_space<vmem>>) target_semaphore(%arg11 : memref<!tpu.dma_semaphore, #tpu.memory_space<semaphore_mem>>)
        } else {
        }
        %parallel_loop3A_88 = arith.constant 0 : i32
        %parallel_loop3A_89 = arith.constant 42 : i32
        %parallel_loop3A_90 = arith.constant 1 : i32
        scf.for %parallel_loop3A_96 = %parallel_loop3A_88 to %parallel_loop3A_89 step %parallel_loop3A_90  : i32 {
          %parallel_loop3A_97 = arith.constant 512 : i32
          %parallel_loop3A_98 = arith.muli %parallel_loop3A_96, %parallel_loop3A_97 : i32
          %parallel_loop3A_99 = arith.addi %mul3A_62, %parallel_loop3A_98 : i32
          %parallel_loop3A_100 = arith.constant 42 : i32
          %parallel_loop3A_101 = arith.muli %add3A_49, %parallel_loop3A_100 : i32
          %parallel_loop3A_102 = arith.addi %parallel_loop3A_101, %parallel_loop3A_96 : i32
          %parallel_loop3A_103 = arith.constant 16 : i32
          %parallel_loop3A_104 = arith.muli %parallel_loop3A_102, %parallel_loop3A_103 : i32
          %parallel_loop3A_105 = arith.constant 0 : i32
          %parallel_loop3A_106 = vector.broadcast %parallel_loop3A_105 : i32 to vector<16xi32>
          %parallel_loop3A_107 = arith.constant 0 : i32
          %parallel_loop3A_108 = arith.addi %parallel_loop3A_99, %parallel_loop3A_107 : i32
          %parallel_loop3A_109 = arith.index_cast %parallel_loop3A_108 : i32 to index
          %parallel_loop3A_110 = tpu.vector_load %arg5[%parallel_loop3A_109] {strides = array<i32>} : memref<43008xi32, #tpu.memory_space<vmem>>, vector<16xi32>,
          %parallel_loop3A_111 = arith.constant 64 : i32
          %parallel_loop3A_112 = vector.broadcast %parallel_loop3A_111 : i32 to vector<16xi32>
          %parallel_loop3A_113 = arith.cmpi sge, %parallel_loop3A_110, %parallel_loop3A_112 : vector<16xi32>
          %parallel_loop3A_114 = arith.constant 1 : i32
          %parallel_loop3A_115 = arith.constant 0 : i32
          %parallel_loop3A_116 = vector.broadcast %parallel_loop3A_114 : i32 to vector<16xi32>
          %parallel_loop3A_117 = vector.broadcast %parallel_loop3A_115 : i32 to vector<16xi32>
          %parallel_loop3A_118 = arith.select %parallel_loop3A_113, %parallel_loop3A_116, %parallel_loop3A_117 : vector<16xi1>, vector<16xi32>
          %parallel_loop3A_119 = arith.ori %parallel_loop3A_106, %parallel_loop3A_118 : vector<16xi32>
          %parallel_loop3A_120 = arith.constant 16 : i32
          %parallel_loop3A_121 = arith.addi %parallel_loop3A_99, %parallel_loop3A_120 : i32
          %parallel_loop3A_122 = arith.index_cast %parallel_loop3A_121 : i32 to index
          %parallel_loop3A_123 = tpu.vector_load %arg5[%parallel_loop3A_122] {strides = array<i32>} : memref<43008xi32, #tpu.memory_space<vmem>>, vector<16xi32>,
          %parallel_loop3A_124 = arith.constant 64 : i32
          %parallel_loop3A_125 = vector.broadcast %parallel_loop3A_124 : i32 to vector<16xi32>
          %parallel_loop3A_126 = arith.cmpi sge, %parallel_loop3A_123, %parallel_loop3A_125 : vector<16xi32>
          %parallel_loop3A_127 = arith.constant 2 : i32
          %parallel_loop3A_128 = arith.constant 0 : i32
          %parallel_loop3A_129 = vector.broadcast %parallel_loop3A_127 : i32 to vector<16xi32>
          %parallel_loop3A_130 = vector.broadcast %parallel_loop3A_128 : i32 to vector<16xi32>
          %parallel_loop3A_131 = arith.select %parallel_loop3A_126, %parallel_loop3A_129, %parallel_loop3A_130 : vector<16xi1>, vector<16xi32>
          %parallel_loop3A_132 = arith.ori %parallel_loop3A_119, %parallel_loop3A_131 : vector<16xi32>
          %parallel_loop3A_133 = arith.constant 32 : i32
          %parallel_loop3A_134 = arith.addi %parallel_loop3A_99, %parallel_loop3A_133 : i32
          %parallel_loop3A_135 = arith.index_cast %parallel_loop3A_134 : i32 to index
          %parallel_loop3A_136 = tpu.vector_load %arg5[%parallel_loop3A_135] {strides = array<i32>} : memref<43008xi32, #tpu.memory_space<vmem>>, vector<16xi32>,
          %parallel_loop3A_137 = arith.constant 64 : i32
          %parallel_loop3A_138 = vector.broadcast %parallel_loop3A_137 : i32 to vector<16xi32>
          %parallel_loop3A_139 = arith.cmpi sge, %parallel_loop3A_136, %parallel_loop3A_138 : vector<16xi32>
          %parallel_loop3A_140 = arith.constant 4 : i32
          %parallel_loop3A_141 = arith.constant 0 : i32
          %parallel_loop3A_142 = vector.broadcast %parallel_loop3A_140 : i32 to vector<16xi32>
          %parallel_loop3A_143 = vector.broadcast %parallel_loop3A_141 : i32 to vector<16xi32>
          %parallel_loop3A_144 = arith.select %parallel_loop3A_139, %parallel_loop3A_142, %parallel_loop3A_143 : vector<16xi1>, vector<16xi32>
          %parallel_loop3A_145 = arith.ori %parallel_loop3A_132, %parallel_loop3A_144 : vector<16xi32>
          %parallel_loop3A_146 = arith.constant 48 : i32
          %parallel_loop3A_147 = arith.addi %parallel_loop3A_99, %parallel_loop3A_146 : i32
          %parallel_loop3A_148 = arith.index_cast %parallel_loop3A_147 : i32 to index
          %parallel_loop3A_149 = tpu.vector_load %arg5[%parallel_loop3A_148] {strides = array<i32>} : memref<43008xi32, #tpu.memory_space<vmem>>, vector<16xi32>,
          %parallel_loop3A_150 = arith.constant 64 : i32
          %parallel_loop3A_151 = vector.broadcast %parallel_loop3A_150 : i32 to vector<16xi32>
          %parallel_loop3A_152 = arith.cmpi sge, %parallel_loop3A_149, %parallel_loop3A_151 : vector<16xi32>
          %parallel_loop3A_153 = arith.constant 8 : i32
          %parallel_loop3A_154 = arith.constant 0 : i32
          %parallel_loop3A_155 = vector.broadcast %parallel_loop3A_153 : i32 to vector<16xi32>
          %parallel_loop3A_156 = vector.broadcast %parallel_loop3A_154 : i32 to vector<16xi32>
          %parallel_loop3A_157 = arith.select %parallel_loop3A_152, %parallel_loop3A_155, %parallel_loop3A_156 : vector<16xi1>, vector<16xi32>
          %parallel_loop3A_158 = arith.ori %parallel_loop3A_145, %parallel_loop3A_157 : vector<16xi32>
          %parallel_loop3A_159 = arith.constant 64 : i32
          %parallel_loop3A_160 = arith.addi %parallel_loop3A_99, %parallel_loop3A_159 : i32
          %parallel_loop3A_161 = arith.index_cast %parallel_loop3A_160 : i32 to index
          %parallel_loop3A_162 = tpu.vector_load %arg5[%parallel_loop3A_161] {strides = array<i32>} : memref<43008xi32, #tpu.memory_space<vmem>>, vector<16xi32>,
          %parallel_loop3A_163 = arith.constant 64 : i32
          %parallel_loop3A_164 = vector.broadcast %parallel_loop3A_163 : i32 to vector<16xi32>
          %parallel_loop3A_165 = arith.cmpi sge, %parallel_loop3A_162, %parallel_loop3A_164 : vector<16xi32>
          %parallel_loop3A_166 = arith.constant 16 : i32
          %parallel_loop3A_167 = arith.constant 0 : i32
          %parallel_loop3A_168 = vector.broadcast %parallel_loop3A_166 : i32 to vector<16xi32>
          %parallel_loop3A_169 = vector.broadcast %parallel_loop3A_167 : i32 to vector<16xi32>
          %parallel_loop3A_170 = arith.select %parallel_loop3A_165, %parallel_loop3A_168, %parallel_loop3A_169 : vector<16xi1>, vector<16xi32>
          %parallel_loop3A_171 = arith.ori %parallel_loop3A_158, %parallel_loop3A_170 : vector<16xi32>
          %parallel_loop3A_172 = arith.constant 80 : i32
          %parallel_loop3A_173 = arith.addi %parallel_loop3A_99, %parallel_loop3A_172 : i32
          %parallel_loop3A_174 = arith.index_cast %parallel_loop3A_173 : i32 to index
          %parallel_loop3A_175 = tpu.vector_load %arg5[%parallel_loop3A_174] {strides = array<i32>} : memref<43008xi32, #tpu.memory_space<vmem>>, vector<16xi32>,
          %parallel_loop3A_176 = arith.constant 64 : i32
          %parallel_loop3A_177 = vector.broadcast %parallel_loop3A_176 : i32 to vector<16xi32>
          %parallel_loop3A_178 = arith.cmpi sge, %parallel_loop3A_175, %parallel_loop3A_177 : vector<16xi32>
          %parallel_loop3A_179 = arith.constant 32 : i32
          %parallel_loop3A_180 = arith.constant 0 : i32
          %parallel_loop3A_181 = vector.broadcast %parallel_loop3A_179 : i32 to vector<16xi32>
          %parallel_loop3A_182 = vector.broadcast %parallel_loop3A_180 : i32 to vector<16xi32>
          %parallel_loop3A_183 = arith.select %parallel_loop3A_178, %parallel_loop3A_181, %parallel_loop3A_182 : vector<16xi1>, vector<16xi32>
          %parallel_loop3A_184 = arith.ori %parallel_loop3A_171, %parallel_loop3A_183 : vector<16xi32>
          %parallel_loop3A_185 = arith.constant 96 : i32
          %parallel_loop3A_186 = arith.addi %parallel_loop3A_99, %parallel_loop3A_185 : i32
          %parallel_loop3A_187 = arith.index_cast %parallel_loop3A_186 : i32 to index
          %parallel_loop3A_188 = tpu.vector_load %arg5[%parallel_loop3A_187] {strides = array<i32>} : memref<43008xi32, #tpu.memory_space<vmem>>, vector<16xi32>,
          %parallel_loop3A_189 = arith.constant 64 : i32
          %parallel_loop3A_190 = vector.broadcast %parallel_loop3A_189 : i32 to vector<16xi32>
          %parallel_loop3A_191 = arith.cmpi sge, %parallel_loop3A_188, %parallel_loop3A_190 : vector<16xi32>
          %parallel_loop3A_192 = arith.constant 64 : i32
          %parallel_loop3A_193 = arith.constant 0 : i32
          %parallel_loop3A_194 = vector.broadcast %parallel_loop3A_192 : i32 to vector<16xi32>
          %parallel_loop3A_195 = vector.broadcast %parallel_loop3A_193 : i32 to vector<16xi32>
          %parallel_loop3A_196 = arith.select %parallel_loop3A_191, %parallel_loop3A_194, %parallel_loop3A_195 : vector<16xi1>, vector<16xi32>
          %parallel_loop3A_197 = arith.ori %parallel_loop3A_184, %parallel_loop3A_196 : vector<16xi32>
          %parallel_loop3A_198 = arith.constant 112 : i32
          %parallel_loop3A_199 = arith.addi %parallel_loop3A_99, %parallel_loop3A_198 : i32
          %parallel_loop3A_200 = arith.index_cast %parallel_loop3A_199 : i32 to index
          %parallel_loop3A_201 = tpu.vector_load %arg5[%parallel_loop3A_200] {strides = array<i32>} : memref<43008xi32, #tpu.memory_space<vmem>>, vector<16xi32>,
          %parallel_loop3A_202 = arith.constant 64 : i32
          %parallel_loop3A_203 = vector.broadcast %parallel_loop3A_202 : i32 to vector<16xi32>
          %parallel_loop3A_204 = arith.cmpi sge, %parallel_loop3A_201, %parallel_loop3A_203 : vector<16xi32>
          %parallel_loop3A_205 = arith.constant 128 : i32
          %parallel_loop3A_206 = arith.constant 0 : i32
          %parallel_loop3A_207 = vector.broadcast %parallel_loop3A_205 : i32 to vector<16xi32>
          %parallel_loop3A_208 = vector.broadcast %parallel_loop3A_206 : i32 to vector<16xi32>
          %parallel_loop3A_209 = arith.select %parallel_loop3A_204, %parallel_loop3A_207, %parallel_loop3A_208 : vector<16xi1>, vector<16xi32>
          %parallel_loop3A_210 = arith.ori %parallel_loop3A_197, %parallel_loop3A_209 : vector<16xi32>
          %parallel_loop3A_211 = arith.constant 128 : i32
          %parallel_loop3A_212 = arith.addi %parallel_loop3A_99, %parallel_loop3A_211 : i32
          %parallel_loop3A_213 = arith.index_cast %parallel_loop3A_212 : i32 to index
          %parallel_loop3A_214 = tpu.vector_load %arg5[%parallel_loop3A_213] {strides = array<i32>} : memref<43008xi32, #tpu.memory_space<vmem>>, vector<16xi32>,
          %parallel_loop3A_215 = arith.constant 64 : i32
          %parallel_loop3A_216 = vector.broadcast %parallel_loop3A_215 : i32 to vector<16xi32>
          %parallel_loop3A_217 = arith.cmpi sge, %parallel_loop3A_214, %parallel_loop3A_216 : vector<16xi32>
          %parallel_loop3A_218 = arith.constant 256 : i32
          %parallel_loop3A_219 = arith.constant 0 : i32
          %parallel_loop3A_220 = vector.broadcast %parallel_loop3A_218 : i32 to vector<16xi32>
          %parallel_loop3A_221 = vector.broadcast %parallel_loop3A_219 : i32 to vector<16xi32>
          %parallel_loop3A_222 = arith.select %parallel_loop3A_217, %parallel_loop3A_220, %parallel_loop3A_221 : vector<16xi1>, vector<16xi32>
          %parallel_loop3A_223 = arith.ori %parallel_loop3A_210, %parallel_loop3A_222 : vector<16xi32>
          %parallel_loop3A_224 = arith.constant 144 : i32
          %parallel_loop3A_225 = arith.addi %parallel_loop3A_99, %parallel_loop3A_224 : i32
          %parallel_loop3A_226 = arith.index_cast %parallel_loop3A_225 : i32 to index
          %parallel_loop3A_227 = tpu.vector_load %arg5[%parallel_loop3A_226] {strides = array<i32>} : memref<43008xi32, #tpu.memory_space<vmem>>, vector<16xi32>,
          %parallel_loop3A_228 = arith.constant 64 : i32
          %parallel_loop3A_229 = vector.broadcast %parallel_loop3A_228 : i32 to vector<16xi32>
          %parallel_loop3A_230 = arith.cmpi sge, %parallel_loop3A_227, %parallel_loop3A_229 : vector<16xi32>
          %parallel_loop3A_231 = arith.constant 512 : i32
          %parallel_loop3A_232 = arith.constant 0 : i32
          %parallel_loop3A_233 = vector.broadcast %parallel_loop3A_231 : i32 to vector<16xi32>
          %parallel_loop3A_234 = vector.broadcast %parallel_loop3A_232 : i32 to vector<16xi32>
          %parallel_loop3A_235 = arith.select %parallel_loop3A_230, %parallel_loop3A_233, %parallel_loop3A_234 : vector<16xi1>, vector<16xi32>
          %parallel_loop3A_236 = arith.ori %parallel_loop3A_223, %parallel_loop3A_235 : vector<16xi32>
          %parallel_loop3A_237 = arith.constant 160 : i32
          %parallel_loop3A_238 = arith.addi %parallel_loop3A_99, %parallel_loop3A_237 : i32
          %parallel_loop3A_239 = arith.index_cast %parallel_loop3A_238 : i32 to index
          %parallel_loop3A_240 = tpu.vector_load %arg5[%parallel_loop3A_239] {strides = array<i32>} : memref<43008xi32, #tpu.memory_space<vmem>>, vector<16xi32>,
          %parallel_loop3A_241 = arith.constant 64 : i32
          %parallel_loop3A_242 = vector.broadcast %parallel_loop3A_241 : i32 to vector<16xi32>
          %parallel_loop3A_243 = arith.cmpi sge, %parallel_loop3A_240, %parallel_loop3A_242 : vector<16xi32>
          %parallel_loop3A_244 = arith.constant 1024 : i32
          %parallel_loop3A_245 = arith.constant 0 : i32
          %parallel_loop3A_246 = vector.broadcast %parallel_loop3A_244 : i32 to vector<16xi32>
          %parallel_loop3A_247 = vector.broadcast %parallel_loop3A_245 : i32 to vector<16xi32>
          %parallel_loop3A_248 = arith.select %parallel_loop3A_243, %parallel_loop3A_246, %parallel_loop3A_247 : vector<16xi1>, vector<16xi32>
          %parallel_loop3A_249 = arith.ori %parallel_loop3A_236, %parallel_loop3A_248 : vector<16xi32>
          %parallel_loop3A_250 = arith.constant 176 : i32
          %parallel_loop3A_251 = arith.addi %parallel_loop3A_99, %parallel_loop3A_250 : i32
          %parallel_loop3A_252 = arith.index_cast %parallel_loop3A_251 : i32 to index
          %parallel_loop3A_253 = tpu.vector_load %arg5[%parallel_loop3A_252] {strides = array<i32>} : memref<43008xi32, #tpu.memory_space<vmem>>, vector<16xi32>,
          %parallel_loop3A_254 = arith.constant 64 : i32
          %parallel_loop3A_255 = vector.broadcast %parallel_loop3A_254 : i32 to vector<16xi32>
          %parallel_loop3A_256 = arith.cmpi sge, %parallel_loop3A_253, %parallel_loop3A_255 : vector<16xi32>
          %parallel_loop3A_257 = arith.constant 2048 : i32
          %parallel_loop3A_258 = arith.constant 0 : i32
          %parallel_loop3A_259 = vector.broadcast %parallel_loop3A_257 : i32 to vector<16xi32>
          %parallel_loop3A_260 = vector.broadcast %parallel_loop3A_258 : i32 to vector<16xi32>
          %parallel_loop3A_261 = arith.select %parallel_loop3A_256, %parallel_loop3A_259, %parallel_loop3A_260 : vector<16xi1>, vector<16xi32>
          %parallel_loop3A_262 = arith.ori %parallel_loop3A_249, %parallel_loop3A_261 : vector<16xi32>
          %parallel_loop3A_263 = arith.constant 192 : i32
          %parallel_loop3A_264 = arith.addi %parallel_loop3A_99, %parallel_loop3A_263 : i32
          %parallel_loop3A_265 = arith.index_cast %parallel_loop3A_264 : i32 to index
          %parallel_loop3A_266 = tpu.vector_load %arg5[%parallel_loop3A_265] {strides = array<i32>} : memref<43008xi32, #tpu.memory_space<vmem>>, vector<16xi32>,
          %parallel_loop3A_267 = arith.constant 64 : i32
          %parallel_loop3A_268 = vector.broadcast %parallel_loop3A_267 : i32 to vector<16xi32>
          %parallel_loop3A_269 = arith.cmpi sge, %parallel_loop3A_266, %parallel_loop3A_268 : vector<16xi32>
          %parallel_loop3A_270 = arith.constant 4096 : i32
          %parallel_loop3A_271 = arith.constant 0 : i32
          %parallel_loop3A_272 = vector.broadcast %parallel_loop3A_270 : i32 to vector<16xi32>
          %parallel_loop3A_273 = vector.broadcast %parallel_loop3A_271 : i32 to vector<16xi32>
          %parallel_loop3A_274 = arith.select %parallel_loop3A_269, %parallel_loop3A_272, %parallel_loop3A_273 : vector<16xi1>, vector<16xi32>
          %parallel_loop3A_275 = arith.ori %parallel_loop3A_262, %parallel_loop3A_274 : vector<16xi32>
          %parallel_loop3A_276 = arith.constant 208 : i32
          %parallel_loop3A_277 = arith.addi %parallel_loop3A_99, %parallel_loop3A_276 : i32
          %parallel_loop3A_278 = arith.index_cast %parallel_loop3A_277 : i32 to index
          %parallel_loop3A_279 = tpu.vector_load %arg5[%parallel_loop3A_278] {strides = array<i32>} : memref<43008xi32, #tpu.memory_space<vmem>>, vector<16xi32>,
          %parallel_loop3A_280 = arith.constant 64 : i32
          %parallel_loop3A_281 = vector.broadcast %parallel_loop3A_280 : i32 to vector<16xi32>
          %parallel_loop3A_282 = arith.cmpi sge, %parallel_loop3A_279, %parallel_loop3A_281 : vector<16xi32>
          %parallel_loop3A_283 = arith.constant 8192 : i32
          %parallel_loop3A_284 = arith.constant 0 : i32
          %parallel_loop3A_285 = vector.broadcast %parallel_loop3A_283 : i32 to vector<16xi32>
          %parallel_loop3A_286 = vector.broadcast %parallel_loop3A_284 : i32 to vector<16xi32>
          %parallel_loop3A_287 = arith.select %parallel_loop3A_282, %parallel_loop3A_285, %parallel_loop3A_286 : vector<16xi1>, vector<16xi32>
          %parallel_loop3A_288 = arith.ori %parallel_loop3A_275, %parallel_loop3A_287 : vector<16xi32>
          %parallel_loop3A_289 = arith.constant 224 : i32
          %parallel_loop3A_290 = arith.addi %parallel_loop3A_99, %parallel_loop3A_289 : i32
          %parallel_loop3A_291 = arith.index_cast %parallel_loop3A_290 : i32 to index
          %parallel_loop3A_292 = tpu.vector_load %arg5[%parallel_loop3A_291] {strides = array<i32>} : memref<43008xi32, #tpu.memory_space<vmem>>, vector<16xi32>,
          %parallel_loop3A_293 = arith.constant 64 : i32
          %parallel_loop3A_294 = vector.broadcast %parallel_loop3A_293 : i32 to vector<16xi32>
          %parallel_loop3A_295 = arith.cmpi sge, %parallel_loop3A_292, %parallel_loop3A_294 : vector<16xi32>
          %parallel_loop3A_296 = arith.constant 16384 : i32
          %parallel_loop3A_297 = arith.constant 0 : i32
          %parallel_loop3A_298 = vector.broadcast %parallel_loop3A_296 : i32 to vector<16xi32>
          %parallel_loop3A_299 = vector.broadcast %parallel_loop3A_297 : i32 to vector<16xi32>
          %parallel_loop3A_300 = arith.select %parallel_loop3A_295, %parallel_loop3A_298, %parallel_loop3A_299 : vector<16xi1>, vector<16xi32>
          %parallel_loop3A_301 = arith.ori %parallel_loop3A_288, %parallel_loop3A_300 : vector<16xi32>
          %parallel_loop3A_302 = arith.constant 240 : i32
          %parallel_loop3A_303 = arith.addi %parallel_loop3A_99, %parallel_loop3A_302 : i32
          %parallel_loop3A_304 = arith.index_cast %parallel_loop3A_303 : i32 to index
          %parallel_loop3A_305 = tpu.vector_load %arg5[%parallel_loop3A_304] {strides = array<i32>} : memref<43008xi32, #tpu.memory_space<vmem>>, vector<16xi32>,
          %parallel_loop3A_306 = arith.constant 64 : i32
          %parallel_loop3A_307 = vector.broadcast %parallel_loop3A_306 : i32 to vector<16xi32>
          %parallel_loop3A_308 = arith.cmpi sge, %parallel_loop3A_305, %parallel_loop3A_307 : vector<16xi32>
          %parallel_loop3A_309 = arith.constant 32768 : i32
          %parallel_loop3A_310 = arith.constant 0 : i32
          %parallel_loop3A_311 = vector.broadcast %parallel_loop3A_309 : i32 to vector<16xi32>
          %parallel_loop3A_312 = vector.broadcast %parallel_loop3A_310 : i32 to vector<16xi32>
          %parallel_loop3A_313 = arith.select %parallel_loop3A_308, %parallel_loop3A_311, %parallel_loop3A_312 : vector<16xi1>, vector<16xi32>
          %parallel_loop3A_314 = arith.ori %parallel_loop3A_301, %parallel_loop3A_313 : vector<16xi32>
          %parallel_loop3A_315 = arith.constant 256 : i32
          %parallel_loop3A_316 = arith.addi %parallel_loop3A_99, %parallel_loop3A_315 : i32
          %parallel_loop3A_317 = arith.index_cast %parallel_loop3A_316 : i32 to index
          %parallel_loop3A_318 = tpu.vector_load %arg5[%parallel_loop3A_317] {strides = array<i32>} : memref<43008xi32, #tpu.memory_space<vmem>>, vector<16xi32>,
          %parallel_loop3A_319 = arith.constant 64 : i32
          %parallel_loop3A_320 = vector.broadcast %parallel_loop3A_319 : i32 to vector<16xi32>
          %parallel_loop3A_321 = arith.cmpi sge, %parallel_loop3A_318, %parallel_loop3A_320 : vector<16xi32>
          %parallel_loop3A_322 = arith.constant 65536 : i32
          %parallel_loop3A_323 = arith.constant 0 : i32
          %parallel_loop3A_324 = vector.broadcast %parallel_loop3A_322 : i32 to vector<16xi32>
          %parallel_loop3A_325 = vector.broadcast %parallel_loop3A_323 : i32 to vector<16xi32>
          %parallel_loop3A_326 = arith.select %parallel_loop3A_321, %parallel_loop3A_324, %parallel_loop3A_325 : vector<16xi1>, vector<16xi32>
          %parallel_loop3A_327 = arith.ori %parallel_loop3A_314, %parallel_loop3A_326 : vector<16xi32>
          %parallel_loop3A_328 = arith.constant 272 : i32
          %parallel_loop3A_329 = arith.addi %parallel_loop3A_99, %parallel_loop3A_328 : i32
          %parallel_loop3A_330 = arith.index_cast %parallel_loop3A_329 : i32 to index
          %parallel_loop3A_331 = tpu.vector_load %arg5[%parallel_loop3A_330] {strides = array<i32>} : memref<43008xi32, #tpu.memory_space<vmem>>, vector<16xi32>,
          %parallel_loop3A_332 = arith.constant 64 : i32
          %parallel_loop3A_333 = vector.broadcast %parallel_loop3A_332 : i32 to vector<16xi32>
          %parallel_loop3A_334 = arith.cmpi sge, %parallel_loop3A_331, %parallel_loop3A_333 : vector<16xi32>
          %parallel_loop3A_335 = arith.constant 131072 : i32
          %parallel_loop3A_336 = arith.constant 0 : i32
          %parallel_loop3A_337 = vector.broadcast %parallel_loop3A_335 : i32 to vector<16xi32>
          %parallel_loop3A_338 = vector.broadcast %parallel_loop3A_336 : i32 to vector<16xi32>
          %parallel_loop3A_339 = arith.select %parallel_loop3A_334, %parallel_loop3A_337, %parallel_loop3A_338 : vector<16xi1>, vector<16xi32>
          %parallel_loop3A_340 = arith.ori %parallel_loop3A_327, %parallel_loop3A_339 : vector<16xi32>
          %parallel_loop3A_341 = arith.constant 288 : i32
          %parallel_loop3A_342 = arith.addi %parallel_loop3A_99, %parallel_loop3A_341 : i32
          %parallel_loop3A_343 = arith.index_cast %parallel_loop3A_342 : i32 to index
          %parallel_loop3A_344 = tpu.vector_load %arg5[%parallel_loop3A_343] {strides = array<i32>} : memref<43008xi32, #tpu.memory_space<vmem>>, vector<16xi32>,
          %parallel_loop3A_345 = arith.constant 64 : i32
          %parallel_loop3A_346 = vector.broadcast %parallel_loop3A_345 : i32 to vector<16xi32>
          %parallel_loop3A_347 = arith.cmpi sge, %parallel_loop3A_344, %parallel_loop3A_346 : vector<16xi32>
          %parallel_loop3A_348 = arith.constant 262144 : i32
          %parallel_loop3A_349 = arith.constant 0 : i32
          %parallel_loop3A_350 = vector.broadcast %parallel_loop3A_348 : i32 to vector<16xi32>
          %parallel_loop3A_351 = vector.broadcast %parallel_loop3A_349 : i32 to vector<16xi32>
          %parallel_loop3A_352 = arith.select %parallel_loop3A_347, %parallel_loop3A_350, %parallel_loop3A_351 : vector<16xi1>, vector<16xi32>
          %parallel_loop3A_353 = arith.ori %parallel_loop3A_340, %parallel_loop3A_352 : vector<16xi32>
          %parallel_loop3A_354 = arith.constant 304 : i32
          %parallel_loop3A_355 = arith.addi %parallel_loop3A_99, %parallel_loop3A_354 : i32
          %parallel_loop3A_356 = arith.index_cast %parallel_loop3A_355 : i32 to index
          %parallel_loop3A_357 = tpu.vector_load %arg5[%parallel_loop3A_356] {strides = array<i32>} : memref<43008xi32, #tpu.memory_space<vmem>>, vector<16xi32>,
          %parallel_loop3A_358 = arith.constant 64 : i32
          %parallel_loop3A_359 = vector.broadcast %parallel_loop3A_358 : i32 to vector<16xi32>
          %parallel_loop3A_360 = arith.cmpi sge, %parallel_loop3A_357, %parallel_loop3A_359 : vector<16xi32>
          %parallel_loop3A_361 = arith.constant 524288 : i32
          %parallel_loop3A_362 = arith.constant 0 : i32
          %parallel_loop3A_363 = vector.broadcast %parallel_loop3A_361 : i32 to vector<16xi32>
          %parallel_loop3A_364 = vector.broadcast %parallel_loop3A_362 : i32 to vector<16xi32>
          %parallel_loop3A_365 = arith.select %parallel_loop3A_360, %parallel_loop3A_363, %parallel_loop3A_364 : vector<16xi1>, vector<16xi32>
          %parallel_loop3A_366 = arith.ori %parallel_loop3A_353, %parallel_loop3A_365 : vector<16xi32>
          %parallel_loop3A_367 = arith.constant 320 : i32
          %parallel_loop3A_368 = arith.addi %parallel_loop3A_99, %parallel_loop3A_367 : i32
          %parallel_loop3A_369 = arith.index_cast %parallel_loop3A_368 : i32 to index
          %parallel_loop3A_370 = tpu.vector_load %arg5[%parallel_loop3A_369] {strides = array<i32>} : memref<43008xi32, #tpu.memory_space<vmem>>, vector<16xi32>,
          %parallel_loop3A_371 = arith.constant 64 : i32
          %parallel_loop3A_372 = vector.broadcast %parallel_loop3A_371 : i32 to vector<16xi32>
          %parallel_loop3A_373 = arith.cmpi sge, %parallel_loop3A_370, %parallel_loop3A_372 : vector<16xi32>
          %parallel_loop3A_374 = arith.constant 1048576 : i32
          %parallel_loop3A_375 = arith.constant 0 : i32
          %parallel_loop3A_376 = vector.broadcast %parallel_loop3A_374 : i32 to vector<16xi32>
          %parallel_loop3A_377 = vector.broadcast %parallel_loop3A_375 : i32 to vector<16xi32>
          %parallel_loop3A_378 = arith.select %parallel_loop3A_373, %parallel_loop3A_376, %parallel_loop3A_377 : vector<16xi1>, vector<16xi32>
          %parallel_loop3A_379 = arith.ori %parallel_loop3A_366, %parallel_loop3A_378 : vector<16xi32>
          %parallel_loop3A_380 = arith.constant 336 : i32
          %parallel_loop3A_381 = arith.addi %parallel_loop3A_99, %parallel_loop3A_380 : i32
          %parallel_loop3A_382 = arith.index_cast %parallel_loop3A_381 : i32 to index
          %parallel_loop3A_383 = tpu.vector_load %arg5[%parallel_loop3A_382] {strides = array<i32>} : memref<43008xi32, #tpu.memory_space<vmem>>, vector<16xi32>,
          %parallel_loop3A_384 = arith.constant 64 : i32
          %parallel_loop3A_385 = vector.broadcast %parallel_loop3A_384 : i32 to vector<16xi32>
          %parallel_loop3A_386 = arith.cmpi sge, %parallel_loop3A_383, %parallel_loop3A_385 : vector<16xi32>
          %parallel_loop3A_387 = arith.constant 2097152 : i32
          %parallel_loop3A_388 = arith.constant 0 : i32
          %parallel_loop3A_389 = vector.broadcast %parallel_loop3A_387 : i32 to vector<16xi32>
          %parallel_loop3A_390 = vector.broadcast %parallel_loop3A_388 : i32 to vector<16xi32>
          %parallel_loop3A_391 = arith.select %parallel_loop3A_386, %parallel_loop3A_389, %parallel_loop3A_390 : vector<16xi1>, vector<16xi32>
          %parallel_loop3A_392 = arith.ori %parallel_loop3A_379, %parallel_loop3A_391 : vector<16xi32>
          %parallel_loop3A_393 = arith.constant 352 : i32
          %parallel_loop3A_394 = arith.addi %parallel_loop3A_99, %parallel_loop3A_393 : i32
          %parallel_loop3A_395 = arith.index_cast %parallel_loop3A_394 : i32 to index
          %parallel_loop3A_396 = tpu.vector_load %arg5[%parallel_loop3A_395] {strides = array<i32>} : memref<43008xi32, #tpu.memory_space<vmem>>, vector<16xi32>,
          %parallel_loop3A_397 = arith.constant 64 : i32
          %parallel_loop3A_398 = vector.broadcast %parallel_loop3A_397 : i32 to vector<16xi32>
          %parallel_loop3A_399 = arith.cmpi sge, %parallel_loop3A_396, %parallel_loop3A_398 : vector<16xi32>
          %parallel_loop3A_400 = arith.constant 4194304 : i32
          %parallel_loop3A_401 = arith.constant 0 : i32
          %parallel_loop3A_402 = vector.broadcast %parallel_loop3A_400 : i32 to vector<16xi32>
          %parallel_loop3A_403 = vector.broadcast %parallel_loop3A_401 : i32 to vector<16xi32>
          %parallel_loop3A_404 = arith.select %parallel_loop3A_399, %parallel_loop3A_402, %parallel_loop3A_403 : vector<16xi1>, vector<16xi32>
          %parallel_loop3A_405 = arith.ori %parallel_loop3A_392, %parallel_loop3A_404 : vector<16xi32>
          %parallel_loop3A_406 = arith.constant 368 : i32
          %parallel_loop3A_407 = arith.addi %parallel_loop3A_99, %parallel_loop3A_406 : i32
          %parallel_loop3A_408 = arith.index_cast %parallel_loop3A_407 : i32 to index
          %parallel_loop3A_409 = tpu.vector_load %arg5[%parallel_loop3A_408] {strides = array<i32>} : memref<43008xi32, #tpu.memory_space<vmem>>, vector<16xi32>,
          %parallel_loop3A_410 = arith.constant 64 : i32
          %parallel_loop3A_411 = vector.broadcast %parallel_loop3A_410 : i32 to vector<16xi32>
          %parallel_loop3A_412 = arith.cmpi sge, %parallel_loop3A_409, %parallel_loop3A_411 : vector<16xi32>
          %parallel_loop3A_413 = arith.constant 8388608 : i32
          %parallel_loop3A_414 = arith.constant 0 : i32
          %parallel_loop3A_415 = vector.broadcast %parallel_loop3A_413 : i32 to vector<16xi32>
          %parallel_loop3A_416 = vector.broadcast %parallel_loop3A_414 : i32 to vector<16xi32>
          %parallel_loop3A_417 = arith.select %parallel_loop3A_412, %parallel_loop3A_415, %parallel_loop3A_416 : vector<16xi1>, vector<16xi32>
          %parallel_loop3A_418 = arith.ori %parallel_loop3A_405, %parallel_loop3A_417 : vector<16xi32>
          %parallel_loop3A_419 = arith.constant 384 : i32
          %parallel_loop3A_420 = arith.addi %parallel_loop3A_99, %parallel_loop3A_419 : i32
          %parallel_loop3A_421 = arith.index_cast %parallel_loop3A_420 : i32 to index
          %parallel_loop3A_422 = tpu.vector_load %arg5[%parallel_loop3A_421] {strides = array<i32>} : memref<43008xi32, #tpu.memory_space<vmem>>, vector<16xi32>,
          %parallel_loop3A_423 = arith.constant 64 : i32
          %parallel_loop3A_424 = vector.broadcast %parallel_loop3A_423 : i32 to vector<16xi32>
          %parallel_loop3A_425 = arith.cmpi sge, %parallel_loop3A_422, %parallel_loop3A_424 : vector<16xi32>
          %parallel_loop3A_426 = arith.constant 16777216 : i32
          %parallel_loop3A_427 = arith.constant 0 : i32
          %parallel_loop3A_428 = vector.broadcast %parallel_loop3A_426 : i32 to vector<16xi32>
          %parallel_loop3A_429 = vector.broadcast %parallel_loop3A_427 : i32 to vector<16xi32>
          %parallel_loop3A_430 = arith.select %parallel_loop3A_425, %parallel_loop3A_428, %parallel_loop3A_429 : vector<16xi1>, vector<16xi32>
          %parallel_loop3A_431 = arith.ori %parallel_loop3A_418, %parallel_loop3A_430 : vector<16xi32>
          %parallel_loop3A_432 = arith.constant 400 : i32
          %parallel_loop3A_433 = arith.addi %parallel_loop3A_99, %parallel_loop3A_432 : i32
          %parallel_loop3A_434 = arith.index_cast %parallel_loop3A_433 : i32 to index
          %parallel_loop3A_435 = tpu.vector_load %arg5[%parallel_loop3A_434] {strides = array<i32>} : memref<43008xi32, #tpu.memory_space<vmem>>, vector<16xi32>,
          %parallel_loop3A_436 = arith.constant 64 : i32
          %parallel_loop3A_437 = vector.broadcast %parallel_loop3A_436 : i32 to vector<16xi32>
          %parallel_loop3A_438 = arith.cmpi sge, %parallel_loop3A_435, %parallel_loop3A_437 : vector<16xi32>
          %parallel_loop3A_439 = arith.constant 33554432 : i32
          %parallel_loop3A_440 = arith.constant 0 : i32
          %parallel_loop3A_441 = vector.broadcast %parallel_loop3A_439 : i32 to vector<16xi32>
          %parallel_loop3A_442 = vector.broadcast %parallel_loop3A_440 : i32 to vector<16xi32>
          %parallel_loop3A_443 = arith.select %parallel_loop3A_438, %parallel_loop3A_441, %parallel_loop3A_442 : vector<16xi1>, vector<16xi32>
          %parallel_loop3A_444 = arith.ori %parallel_loop3A_431, %parallel_loop3A_443 : vector<16xi32>
          %parallel_loop3A_445 = arith.constant 416 : i32
          %parallel_loop3A_446 = arith.addi %parallel_loop3A_99, %parallel_loop3A_445 : i32
          %parallel_loop3A_447 = arith.index_cast %parallel_loop3A_446 : i32 to index
          %parallel_loop3A_448 = tpu.vector_load %arg5[%parallel_loop3A_447] {strides = array<i32>} : memref<43008xi32, #tpu.memory_space<vmem>>, vector<16xi32>,
          %parallel_loop3A_449 = arith.constant 64 : i32
          %parallel_loop3A_450 = vector.broadcast %parallel_loop3A_449 : i32 to vector<16xi32>
          %parallel_loop3A_451 = arith.cmpi sge, %parallel_loop3A_448, %parallel_loop3A_450 : vector<16xi32>
          %parallel_loop3A_452 = arith.constant 67108864 : i32
          %parallel_loop3A_453 = arith.constant 0 : i32
          %parallel_loop3A_454 = vector.broadcast %parallel_loop3A_452 : i32 to vector<16xi32>
          %parallel_loop3A_455 = vector.broadcast %parallel_loop3A_453 : i32 to vector<16xi32>
          %parallel_loop3A_456 = arith.select %parallel_loop3A_451, %parallel_loop3A_454, %parallel_loop3A_455 : vector<16xi1>, vector<16xi32>
          %parallel_loop3A_457 = arith.ori %parallel_loop3A_444, %parallel_loop3A_456 : vector<16xi32>
          %parallel_loop3A_458 = arith.constant 432 : i32
          %parallel_loop3A_459 = arith.addi %parallel_loop3A_99, %parallel_loop3A_458 : i32
          %parallel_loop3A_460 = arith.index_cast %parallel_loop3A_459 : i32 to index
          %parallel_loop3A_461 = tpu.vector_load %arg5[%parallel_loop3A_460] {strides = array<i32>} : memref<43008xi32, #tpu.memory_space<vmem>>, vector<16xi32>,
          %parallel_loop3A_462 = arith.constant 64 : i32
          %parallel_loop3A_463 = vector.broadcast %parallel_loop3A_462 : i32 to vector<16xi32>
          %parallel_loop3A_464 = arith.cmpi sge, %parallel_loop3A_461, %parallel_loop3A_463 : vector<16xi32>
          %parallel_loop3A_465 = arith.constant 134217728 : i32
          %parallel_loop3A_466 = arith.constant 0 : i32
          %parallel_loop3A_467 = vector.broadcast %parallel_loop3A_465 : i32 to vector<16xi32>
          %parallel_loop3A_468 = vector.broadcast %parallel_loop3A_466 : i32 to vector<16xi32>
          %parallel_loop3A_469 = arith.select %parallel_loop3A_464, %parallel_loop3A_467, %parallel_loop3A_468 : vector<16xi1>, vector<16xi32>
          %parallel_loop3A_470 = arith.ori %parallel_loop3A_457, %parallel_loop3A_469 : vector<16xi32>
          %parallel_loop3A_471 = arith.constant 448 : i32
          %parallel_loop3A_472 = arith.addi %parallel_loop3A_99, %parallel_loop3A_471 : i32
          %parallel_loop3A_473 = arith.index_cast %parallel_loop3A_472 : i32 to index
          %parallel_loop3A_474 = tpu.vector_load %arg5[%parallel_loop3A_473] {strides = array<i32>} : memref<43008xi32, #tpu.memory_space<vmem>>, vector<16xi32>,
          %parallel_loop3A_475 = arith.constant 64 : i32
          %parallel_loop3A_476 = vector.broadcast %parallel_loop3A_475 : i32 to vector<16xi32>
          %parallel_loop3A_477 = arith.cmpi sge, %parallel_loop3A_474, %parallel_loop3A_476 : vector<16xi32>
          %parallel_loop3A_478 = arith.constant 268435456 : i32
          %parallel_loop3A_479 = arith.constant 0 : i32
          %parallel_loop3A_480 = vector.broadcast %parallel_loop3A_478 : i32 to vector<16xi32>
          %parallel_loop3A_481 = vector.broadcast %parallel_loop3A_479 : i32 to vector<16xi32>
          %parallel_loop3A_482 = arith.select %parallel_loop3A_477, %parallel_loop3A_480, %parallel_loop3A_481 : vector<16xi1>, vector<16xi32>
          %parallel_loop3A_483 = arith.ori %parallel_loop3A_470, %parallel_loop3A_482 : vector<16xi32>
          %parallel_loop3A_484 = arith.constant 464 : i32
          %parallel_loop3A_485 = arith.addi %parallel_loop3A_99, %parallel_loop3A_484 : i32
          %parallel_loop3A_486 = arith.index_cast %parallel_loop3A_485 : i32 to index
          %parallel_loop3A_487 = tpu.vector_load %arg5[%parallel_loop3A_486] {strides = array<i32>} : memref<43008xi32, #tpu.memory_space<vmem>>, vector<16xi32>,
          %parallel_loop3A_488 = arith.constant 64 : i32
          %parallel_loop3A_489 = vector.broadcast %parallel_loop3A_488 : i32 to vector<16xi32>
          %parallel_loop3A_490 = arith.cmpi sge, %parallel_loop3A_487, %parallel_loop3A_489 : vector<16xi32>
          %parallel_loop3A_491 = arith.constant 536870912 : i32
          %parallel_loop3A_492 = arith.constant 0 : i32
          %parallel_loop3A_493 = vector.broadcast %parallel_loop3A_491 : i32 to vector<16xi32>
          %parallel_loop3A_494 = vector.broadcast %parallel_loop3A_492 : i32 to vector<16xi32>
          %parallel_loop3A_495 = arith.select %parallel_loop3A_490, %parallel_loop3A_493, %parallel_loop3A_494 : vector<16xi1>, vector<16xi32>
          %parallel_loop3A_496 = arith.ori %parallel_loop3A_483, %parallel_loop3A_495 : vector<16xi32>
          %parallel_loop3A_497 = arith.constant 480 : i32
          %parallel_loop3A_498 = arith.addi %parallel_loop3A_99, %parallel_loop3A_497 : i32
          %parallel_loop3A_499 = arith.index_cast %parallel_loop3A_498 : i32 to index
          %parallel_loop3A_500 = tpu.vector_load %arg5[%parallel_loop3A_499] {strides = array<i32>} : memref<43008xi32, #tpu.memory_space<vmem>>, vector<16xi32>,
          %parallel_loop3A_501 = arith.constant 64 : i32
          %parallel_loop3A_502 = vector.broadcast %parallel_loop3A_501 : i32 to vector<16xi32>
          %parallel_loop3A_503 = arith.cmpi sge, %parallel_loop3A_500, %parallel_loop3A_502 : vector<16xi32>
          %parallel_loop3A_504 = arith.constant 1073741824 : i32
          %parallel_loop3A_505 = arith.constant 0 : i32
          %parallel_loop3A_506 = vector.broadcast %parallel_loop3A_504 : i32 to vector<16xi32>
          %parallel_loop3A_507 = vector.broadcast %parallel_loop3A_505 : i32 to vector<16xi32>
          %parallel_loop3A_508 = arith.select %parallel_loop3A_503, %parallel_loop3A_506, %parallel_loop3A_507 : vector<16xi1>, vector<16xi32>
          %parallel_loop3A_509 = arith.ori %parallel_loop3A_496, %parallel_loop3A_508 : vector<16xi32>
          %parallel_loop3A_510 = arith.constant 496 : i32
          %parallel_loop3A_511 = arith.addi %parallel_loop3A_99, %parallel_loop3A_510 : i32
          %parallel_loop3A_512 = arith.index_cast %parallel_loop3A_511 : i32 to index
          %parallel_loop3A_513 = tpu.vector_load %arg5[%parallel_loop3A_512] {strides = array<i32>} : memref<43008xi32, #tpu.memory_space<vmem>>, vector<16xi32>,
          %parallel_loop3A_514 = arith.constant 64 : i32
          %parallel_loop3A_515 = vector.broadcast %parallel_loop3A_514 : i32 to vector<16xi32>
          %parallel_loop3A_516 = arith.cmpi sge, %parallel_loop3A_513, %parallel_loop3A_515 : vector<16xi32>
          %parallel_loop3A_517 = arith.constant -2147483648 : i32
          %parallel_loop3A_518 = arith.constant 0 : i32
          %parallel_loop3A_519 = vector.broadcast %parallel_loop3A_517 : i32 to vector<16xi32>
          %parallel_loop3A_520 = vector.broadcast %parallel_loop3A_518 : i32 to vector<16xi32>
          %parallel_loop3A_521 = arith.select %parallel_loop3A_516, %parallel_loop3A_519, %parallel_loop3A_520 : vector<16xi1>, vector<16xi32>
          %parallel_loop3A_522 = arith.ori %parallel_loop3A_509, %parallel_loop3A_521 : vector<16xi32>
          %parallel_loop3A_523 = arith.index_cast %parallel_loop3A_104 : i32 to index
          %parallel_loop3A_524 = tpu.vector_load %arg6[%parallel_loop3A_523] {strides = array<i32>} : memref<31264xi32, #tpu.memory_space<vmem>>, vector<16xi32>,
          tpu.vector_store %arg6[%parallel_loop3A_523], %parallel_loop3A_522 {strides = array<i32>} : memref<31264xi32, #tpu.memory_space<vmem>>, vector<16xi32>,
        } {sc.loop_unroll_factor = 2 : i64, sc.parallel_access}
        %lt3A_91 = arith.constant 2 : i32
        %lt3A_92 = arith.cmpi slt, %add3A_49, %lt3A_91 : i32
        %convert_element_type3A_93 = arith.extui %lt3A_92 : i1 to i32
        %cond3A_94 = arith.constant 0 : i32
        %cond3A_95 = arith.cmpi ne, %convert_element_type3A_93, %cond3A_94 : i32
        scf.if %cond3A_95 {
          %add3A_96 = arith.constant 1 : i32
          %add3A_97 = arith.addi %add3A_49, %add3A_96 : i32
          %mul3A_98 = arith.constant 21504 : i32
          %mul3A_99 = arith.muli %add3A_97, %mul3A_98 : i32
          %add3A_100 = arith.addi %mul3A_7, %mul3A_99 : i32
          %dma_wait3A_101 = tpu.memref_slice %arg5[%mul3A_82] : memref<43008xi32, #tpu.memory_space<vmem>> -> memref<21504xi32, #tpu.memory_space<vmem>>
          %dma_wait3A_102 = tpu.memref_slice %arg2[%add3A_100] : memref<1000000xi32, #tpu.memory_space<hbm>> -> memref<21504xi32, #tpu.memory_space<hbm>>
          %dma_wait3A_103 = tpu.memref_slice %arg5[%mul3A_82] : memref<43008xi32, #tpu.memory_space<vmem>> -> memref<21504xi32, #tpu.memory_space<vmem>>
          %dma_wait3A_104 = tpu.memref_slice %arg2[%add3A_100] : memref<1000000xi32, #tpu.memory_space<hbm>> -> memref<21504xi32, #tpu.memory_space<hbm>>
          tpu.wait_dma2 semaphore(%arg11 : memref<!tpu.dma_semaphore, #tpu.memory_space<semaphore_mem>>) src(%dma_wait3A_104 : memref<21504xi32, #tpu.memory_space<hbm>>) dst(%dma_wait3A_103 : memref<21504xi32, #tpu.memory_space<vmem>>)
        } else {
        }
      }
      %scan3A_44 = arith.constant 3 : i32
    } else {
    }
    %eq3A = arith.constant 15 : i32
    %eq3A_10 = arith.cmpi eq, %arg1, %eq3A : i32
    %convert_element_type3A_11 = arith.extui %eq3A_10 : i1 to i32
    %cond3A_12 = arith.constant 0 : i32
    %cond3A_13 = arith.cmpi ne, %convert_element_type3A_11, %cond3A_12 : i32
    scf.if %cond3A_13 {
      %dma_start3A_29 = arith.constant 0 : i32
      %dma_start3A_30 = tpu.memref_slice %arg5[%dma_start3A_29] : memref<43008xi32, #tpu.memory_space<vmem>> -> memref<32320xi32, #tpu.memory_space<vmem>>
      %dma_start3A_31 = tpu.memref_slice %arg2[%mul3A_7] : memref<1000000xi32, #tpu.memory_space<hbm>> -> memref<32320xi32, #tpu.memory_space<hbm>>
      %dma_start3A_32 = arith.constant 0 : i32
      %dma_start3A_33 = tpu.memref_slice %arg5[%dma_start3A_32] : memref<43008xi32, #tpu.memory_space<vmem>> -> memref<32320xi32, #tpu.memory_space<vmem>>
      %dma_start3A_34 = tpu.memref_slice %arg2[%mul3A_7] : memref<1000000xi32, #tpu.memory_space<hbm>> -> memref<32320xi32, #tpu.memory_space<hbm>>
      tpu.enqueue_dma source(%dma_start3A_34 : memref<32320xi32, #tpu.memory_space<hbm>>) target(%dma_start3A_33 : memref<32320xi32, #tpu.memory_space<vmem>>) target_semaphore(%arg11 : memref<!tpu.dma_semaphore, #tpu.memory_space<semaphore_mem>>)
      %dma_wait3A_35 = arith.constant 0 : i32
      %dma_wait3A_36 = tpu.memref_slice %arg5[%dma_wait3A_35] : memref<43008xi32, #tpu.memory_space<vmem>> -> memref<32320xi32, #tpu.memory_space<vmem>>
      %dma_wait3A_37 = tpu.memref_slice %arg2[%mul3A_7] : memref<1000000xi32, #tpu.memory_space<hbm>> -> memref<32320xi32, #tpu.memory_space<hbm>>
      %dma_wait3A_38 = arith.constant 0 : i32
      %dma_wait3A_39 = tpu.memref_slice %arg5[%dma_wait3A_38] : memref<43008xi32, #tpu.memory_space<vmem>> -> memref<32320xi32, #tpu.memory_space<vmem>>
      %dma_wait3A_40 = tpu.memref_slice %arg2[%mul3A_7] : memref<1000000xi32, #tpu.memory_space<hbm>> -> memref<32320xi32, #tpu.memory_space<hbm>>
      tpu.wait_dma2 semaphore(%arg11 : memref<!tpu.dma_semaphore, #tpu.memory_space<semaphore_mem>>) src(%dma_wait3A_40 : memref<32320xi32, #tpu.memory_space<hbm>>) dst(%dma_wait3A_39 : memref<32320xi32, #tpu.memory_space<vmem>>)
      %parallel_loop3A_41 = arith.constant 0 : i32
      %parallel_loop3A_42 = arith.constant 63 : i32
      %parallel_loop3A_43 = arith.constant 1 : i32
      scf.for %parallel_loop3A_85 = %parallel_loop3A_41 to %parallel_loop3A_42 step %parallel_loop3A_43  : i32 {
        %parallel_loop3A_86 = arith.constant 512 : i32
        %parallel_loop3A_87 = arith.muli %parallel_loop3A_85, %parallel_loop3A_86 : i32
        %parallel_loop3A_88 = arith.constant 16 : i32
        %parallel_loop3A_89 = arith.muli %parallel_loop3A_85, %parallel_loop3A_88 : i32
        %parallel_loop3A_90 = arith.constant 0 : i32
        %parallel_loop3A_91 = vector.broadcast %parallel_loop3A_90 : i32 to vector<16xi32>
        %parallel_loop3A_92 = arith.constant 0 : i32
        %parallel_loop3A_93 = arith.addi %parallel_loop3A_87, %parallel_loop3A_92 : i32
        %parallel_loop3A_94 = arith.index_cast %parallel_loop3A_93 : i32 to index
        %parallel_loop3A_95 = tpu.vector_load %arg5[%parallel_loop3A_94] {strides = array<i32>} : memref<43008xi32, #tpu.memory_space<vmem>>, vector<16xi32>,
        %parallel_loop3A_96 = arith.constant 64 : i32
        %parallel_loop3A_97 = vector.broadcast %parallel_loop3A_96 : i32 to vector<16xi32>
        %parallel_loop3A_98 = arith.cmpi sge, %parallel_loop3A_95, %parallel_loop3A_97 : vector<16xi32>
        %parallel_loop3A_99 = arith.constant 1 : i32
        %parallel_loop3A_100 = arith.constant 0 : i32
        %parallel_loop3A_101 = vector.broadcast %parallel_loop3A_99 : i32 to vector<16xi32>
        %parallel_loop3A_102 = vector.broadcast %parallel_loop3A_100 : i32 to vector<16xi32>
        %parallel_loop3A_103 = arith.select %parallel_loop3A_98, %parallel_loop3A_101, %parallel_loop3A_102 : vector<16xi1>, vector<16xi32>
        %parallel_loop3A_104 = arith.ori %parallel_loop3A_91, %parallel_loop3A_103 : vector<16xi32>
        %parallel_loop3A_105 = arith.constant 16 : i32
        %parallel_loop3A_106 = arith.addi %parallel_loop3A_87, %parallel_loop3A_105 : i32
        %parallel_loop3A_107 = arith.index_cast %parallel_loop3A_106 : i32 to index
        %parallel_loop3A_108 = tpu.vector_load %arg5[%parallel_loop3A_107] {strides = array<i32>} : memref<43008xi32, #tpu.memory_space<vmem>>, vector<16xi32>,
        %parallel_loop3A_109 = arith.constant 64 : i32
        %parallel_loop3A_110 = vector.broadcast %parallel_loop3A_109 : i32 to vector<16xi32>
        %parallel_loop3A_111 = arith.cmpi sge, %parallel_loop3A_108, %parallel_loop3A_110 : vector<16xi32>
        %parallel_loop3A_112 = arith.constant 2 : i32
        %parallel_loop3A_113 = arith.constant 0 : i32
        %parallel_loop3A_114 = vector.broadcast %parallel_loop3A_112 : i32 to vector<16xi32>
        %parallel_loop3A_115 = vector.broadcast %parallel_loop3A_113 : i32 to vector<16xi32>
        %parallel_loop3A_116 = arith.select %parallel_loop3A_111, %parallel_loop3A_114, %parallel_loop3A_115 : vector<16xi1>, vector<16xi32>
        %parallel_loop3A_117 = arith.ori %parallel_loop3A_104, %parallel_loop3A_116 : vector<16xi32>
        %parallel_loop3A_118 = arith.constant 32 : i32
        %parallel_loop3A_119 = arith.addi %parallel_loop3A_87, %parallel_loop3A_118 : i32
        %parallel_loop3A_120 = arith.index_cast %parallel_loop3A_119 : i32 to index
        %parallel_loop3A_121 = tpu.vector_load %arg5[%parallel_loop3A_120] {strides = array<i32>} : memref<43008xi32, #tpu.memory_space<vmem>>, vector<16xi32>,
        %parallel_loop3A_122 = arith.constant 64 : i32
        %parallel_loop3A_123 = vector.broadcast %parallel_loop3A_122 : i32 to vector<16xi32>
        %parallel_loop3A_124 = arith.cmpi sge, %parallel_loop3A_121, %parallel_loop3A_123 : vector<16xi32>
        %parallel_loop3A_125 = arith.constant 4 : i32
        %parallel_loop3A_126 = arith.constant 0 : i32
        %parallel_loop3A_127 = vector.broadcast %parallel_loop3A_125 : i32 to vector<16xi32>
        %parallel_loop3A_128 = vector.broadcast %parallel_loop3A_126 : i32 to vector<16xi32>
        %parallel_loop3A_129 = arith.select %parallel_loop3A_124, %parallel_loop3A_127, %parallel_loop3A_128 : vector<16xi1>, vector<16xi32>
        %parallel_loop3A_130 = arith.ori %parallel_loop3A_117, %parallel_loop3A_129 : vector<16xi32>
        %parallel_loop3A_131 = arith.constant 48 : i32
        %parallel_loop3A_132 = arith.addi %parallel_loop3A_87, %parallel_loop3A_131 : i32
        %parallel_loop3A_133 = arith.index_cast %parallel_loop3A_132 : i32 to index
        %parallel_loop3A_134 = tpu.vector_load %arg5[%parallel_loop3A_133] {strides = array<i32>} : memref<43008xi32, #tpu.memory_space<vmem>>, vector<16xi32>,
        %parallel_loop3A_135 = arith.constant 64 : i32
        %parallel_loop3A_136 = vector.broadcast %parallel_loop3A_135 : i32 to vector<16xi32>
        %parallel_loop3A_137 = arith.cmpi sge, %parallel_loop3A_134, %parallel_loop3A_136 : vector<16xi32>
        %parallel_loop3A_138 = arith.constant 8 : i32
        %parallel_loop3A_139 = arith.constant 0 : i32
        %parallel_loop3A_140 = vector.broadcast %parallel_loop3A_138 : i32 to vector<16xi32>
        %parallel_loop3A_141 = vector.broadcast %parallel_loop3A_139 : i32 to vector<16xi32>
        %parallel_loop3A_142 = arith.select %parallel_loop3A_137, %parallel_loop3A_140, %parallel_loop3A_141 : vector<16xi1>, vector<16xi32>
        %parallel_loop3A_143 = arith.ori %parallel_loop3A_130, %parallel_loop3A_142 : vector<16xi32>
        %parallel_loop3A_144 = arith.constant 64 : i32
        %parallel_loop3A_145 = arith.addi %parallel_loop3A_87, %parallel_loop3A_144 : i32
        %parallel_loop3A_146 = arith.index_cast %parallel_loop3A_145 : i32 to index
        %parallel_loop3A_147 = tpu.vector_load %arg5[%parallel_loop3A_146] {strides = array<i32>} : memref<43008xi32, #tpu.memory_space<vmem>>, vector<16xi32>,
        %parallel_loop3A_148 = arith.constant 64 : i32
        %parallel_loop3A_149 = vector.broadcast %parallel_loop3A_148 : i32 to vector<16xi32>
        %parallel_loop3A_150 = arith.cmpi sge, %parallel_loop3A_147, %parallel_loop3A_149 : vector<16xi32>
        %parallel_loop3A_151 = arith.constant 16 : i32
        %parallel_loop3A_152 = arith.constant 0 : i32
        %parallel_loop3A_153 = vector.broadcast %parallel_loop3A_151 : i32 to vector<16xi32>
        %parallel_loop3A_154 = vector.broadcast %parallel_loop3A_152 : i32 to vector<16xi32>
        %parallel_loop3A_155 = arith.select %parallel_loop3A_150, %parallel_loop3A_153, %parallel_loop3A_154 : vector<16xi1>, vector<16xi32>
        %parallel_loop3A_156 = arith.ori %parallel_loop3A_143, %parallel_loop3A_155 : vector<16xi32>
        %parallel_loop3A_157 = arith.constant 80 : i32
        %parallel_loop3A_158 = arith.addi %parallel_loop3A_87, %parallel_loop3A_157 : i32
        %parallel_loop3A_159 = arith.index_cast %parallel_loop3A_158 : i32 to index
        %parallel_loop3A_160 = tpu.vector_load %arg5[%parallel_loop3A_159] {strides = array<i32>} : memref<43008xi32, #tpu.memory_space<vmem>>, vector<16xi32>,
        %parallel_loop3A_161 = arith.constant 64 : i32
        %parallel_loop3A_162 = vector.broadcast %parallel_loop3A_161 : i32 to vector<16xi32>
        %parallel_loop3A_163 = arith.cmpi sge, %parallel_loop3A_160, %parallel_loop3A_162 : vector<16xi32>
        %parallel_loop3A_164 = arith.constant 32 : i32
        %parallel_loop3A_165 = arith.constant 0 : i32
        %parallel_loop3A_166 = vector.broadcast %parallel_loop3A_164 : i32 to vector<16xi32>
        %parallel_loop3A_167 = vector.broadcast %parallel_loop3A_165 : i32 to vector<16xi32>
        %parallel_loop3A_168 = arith.select %parallel_loop3A_163, %parallel_loop3A_166, %parallel_loop3A_167 : vector<16xi1>, vector<16xi32>
        %parallel_loop3A_169 = arith.ori %parallel_loop3A_156, %parallel_loop3A_168 : vector<16xi32>
        %parallel_loop3A_170 = arith.constant 96 : i32
        %parallel_loop3A_171 = arith.addi %parallel_loop3A_87, %parallel_loop3A_170 : i32
        %parallel_loop3A_172 = arith.index_cast %parallel_loop3A_171 : i32 to index
        %parallel_loop3A_173 = tpu.vector_load %arg5[%parallel_loop3A_172] {strides = array<i32>} : memref<43008xi32, #tpu.memory_space<vmem>>, vector<16xi32>,
        %parallel_loop3A_174 = arith.constant 64 : i32
        %parallel_loop3A_175 = vector.broadcast %parallel_loop3A_174 : i32 to vector<16xi32>
        %parallel_loop3A_176 = arith.cmpi sge, %parallel_loop3A_173, %parallel_loop3A_175 : vector<16xi32>
        %parallel_loop3A_177 = arith.constant 64 : i32
        %parallel_loop3A_178 = arith.constant 0 : i32
        %parallel_loop3A_179 = vector.broadcast %parallel_loop3A_177 : i32 to vector<16xi32>
        %parallel_loop3A_180 = vector.broadcast %parallel_loop3A_178 : i32 to vector<16xi32>
        %parallel_loop3A_181 = arith.select %parallel_loop3A_176, %parallel_loop3A_179, %parallel_loop3A_180 : vector<16xi1>, vector<16xi32>
        %parallel_loop3A_182 = arith.ori %parallel_loop3A_169, %parallel_loop3A_181 : vector<16xi32>
        %parallel_loop3A_183 = arith.constant 112 : i32
        %parallel_loop3A_184 = arith.addi %parallel_loop3A_87, %parallel_loop3A_183 : i32
        %parallel_loop3A_185 = arith.index_cast %parallel_loop3A_184 : i32 to index
        %parallel_loop3A_186 = tpu.vector_load %arg5[%parallel_loop3A_185] {strides = array<i32>} : memref<43008xi32, #tpu.memory_space<vmem>>, vector<16xi32>,
        %parallel_loop3A_187 = arith.constant 64 : i32
        %parallel_loop3A_188 = vector.broadcast %parallel_loop3A_187 : i32 to vector<16xi32>
        %parallel_loop3A_189 = arith.cmpi sge, %parallel_loop3A_186, %parallel_loop3A_188 : vector<16xi32>
        %parallel_loop3A_190 = arith.constant 128 : i32
        %parallel_loop3A_191 = arith.constant 0 : i32
        %parallel_loop3A_192 = vector.broadcast %parallel_loop3A_190 : i32 to vector<16xi32>
        %parallel_loop3A_193 = vector.broadcast %parallel_loop3A_191 : i32 to vector<16xi32>
        %parallel_loop3A_194 = arith.select %parallel_loop3A_189, %parallel_loop3A_192, %parallel_loop3A_193 : vector<16xi1>, vector<16xi32>
        %parallel_loop3A_195 = arith.ori %parallel_loop3A_182, %parallel_loop3A_194 : vector<16xi32>
        %parallel_loop3A_196 = arith.constant 128 : i32
        %parallel_loop3A_197 = arith.addi %parallel_loop3A_87, %parallel_loop3A_196 : i32
        %parallel_loop3A_198 = arith.index_cast %parallel_loop3A_197 : i32 to index
        %parallel_loop3A_199 = tpu.vector_load %arg5[%parallel_loop3A_198] {strides = array<i32>} : memref<43008xi32, #tpu.memory_space<vmem>>, vector<16xi32>,
        %parallel_loop3A_200 = arith.constant 64 : i32
        %parallel_loop3A_201 = vector.broadcast %parallel_loop3A_200 : i32 to vector<16xi32>
        %parallel_loop3A_202 = arith.cmpi sge, %parallel_loop3A_199, %parallel_loop3A_201 : vector<16xi32>
        %parallel_loop3A_203 = arith.constant 256 : i32
        %parallel_loop3A_204 = arith.constant 0 : i32
        %parallel_loop3A_205 = vector.broadcast %parallel_loop3A_203 : i32 to vector<16xi32>
        %parallel_loop3A_206 = vector.broadcast %parallel_loop3A_204 : i32 to vector<16xi32>
        %parallel_loop3A_207 = arith.select %parallel_loop3A_202, %parallel_loop3A_205, %parallel_loop3A_206 : vector<16xi1>, vector<16xi32>
        %parallel_loop3A_208 = arith.ori %parallel_loop3A_195, %parallel_loop3A_207 : vector<16xi32>
        %parallel_loop3A_209 = arith.constant 144 : i32
        %parallel_loop3A_210 = arith.addi %parallel_loop3A_87, %parallel_loop3A_209 : i32
        %parallel_loop3A_211 = arith.index_cast %parallel_loop3A_210 : i32 to index
        %parallel_loop3A_212 = tpu.vector_load %arg5[%parallel_loop3A_211] {strides = array<i32>} : memref<43008xi32, #tpu.memory_space<vmem>>, vector<16xi32>,
        %parallel_loop3A_213 = arith.constant 64 : i32
        %parallel_loop3A_214 = vector.broadcast %parallel_loop3A_213 : i32 to vector<16xi32>
        %parallel_loop3A_215 = arith.cmpi sge, %parallel_loop3A_212, %parallel_loop3A_214 : vector<16xi32>
        %parallel_loop3A_216 = arith.constant 512 : i32
        %parallel_loop3A_217 = arith.constant 0 : i32
        %parallel_loop3A_218 = vector.broadcast %parallel_loop3A_216 : i32 to vector<16xi32>
        %parallel_loop3A_219 = vector.broadcast %parallel_loop3A_217 : i32 to vector<16xi32>
        %parallel_loop3A_220 = arith.select %parallel_loop3A_215, %parallel_loop3A_218, %parallel_loop3A_219 : vector<16xi1>, vector<16xi32>
        %parallel_loop3A_221 = arith.ori %parallel_loop3A_208, %parallel_loop3A_220 : vector<16xi32>
        %parallel_loop3A_222 = arith.constant 160 : i32
        %parallel_loop3A_223 = arith.addi %parallel_loop3A_87, %parallel_loop3A_222 : i32
        %parallel_loop3A_224 = arith.index_cast %parallel_loop3A_223 : i32 to index
        %parallel_loop3A_225 = tpu.vector_load %arg5[%parallel_loop3A_224] {strides = array<i32>} : memref<43008xi32, #tpu.memory_space<vmem>>, vector<16xi32>,
        %parallel_loop3A_226 = arith.constant 64 : i32
        %parallel_loop3A_227 = vector.broadcast %parallel_loop3A_226 : i32 to vector<16xi32>
        %parallel_loop3A_228 = arith.cmpi sge, %parallel_loop3A_225, %parallel_loop3A_227 : vector<16xi32>
        %parallel_loop3A_229 = arith.constant 1024 : i32
        %parallel_loop3A_230 = arith.constant 0 : i32
        %parallel_loop3A_231 = vector.broadcast %parallel_loop3A_229 : i32 to vector<16xi32>
        %parallel_loop3A_232 = vector.broadcast %parallel_loop3A_230 : i32 to vector<16xi32>
        %parallel_loop3A_233 = arith.select %parallel_loop3A_228, %parallel_loop3A_231, %parallel_loop3A_232 : vector<16xi1>, vector<16xi32>
        %parallel_loop3A_234 = arith.ori %parallel_loop3A_221, %parallel_loop3A_233 : vector<16xi32>
        %parallel_loop3A_235 = arith.constant 176 : i32
        %parallel_loop3A_236 = arith.addi %parallel_loop3A_87, %parallel_loop3A_235 : i32
        %parallel_loop3A_237 = arith.index_cast %parallel_loop3A_236 : i32 to index
        %parallel_loop3A_238 = tpu.vector_load %arg5[%parallel_loop3A_237] {strides = array<i32>} : memref<43008xi32, #tpu.memory_space<vmem>>, vector<16xi32>,
        %parallel_loop3A_239 = arith.constant 64 : i32
        %parallel_loop3A_240 = vector.broadcast %parallel_loop3A_239 : i32 to vector<16xi32>
        %parallel_loop3A_241 = arith.cmpi sge, %parallel_loop3A_238, %parallel_loop3A_240 : vector<16xi32>
        %parallel_loop3A_242 = arith.constant 2048 : i32
        %parallel_loop3A_243 = arith.constant 0 : i32
        %parallel_loop3A_244 = vector.broadcast %parallel_loop3A_242 : i32 to vector<16xi32>
        %parallel_loop3A_245 = vector.broadcast %parallel_loop3A_243 : i32 to vector<16xi32>
        %parallel_loop3A_246 = arith.select %parallel_loop3A_241, %parallel_loop3A_244, %parallel_loop3A_245 : vector<16xi1>, vector<16xi32>
        %parallel_loop3A_247 = arith.ori %parallel_loop3A_234, %parallel_loop3A_246 : vector<16xi32>
        %parallel_loop3A_248 = arith.constant 192 : i32
        %parallel_loop3A_249 = arith.addi %parallel_loop3A_87, %parallel_loop3A_248 : i32
        %parallel_loop3A_250 = arith.index_cast %parallel_loop3A_249 : i32 to index
        %parallel_loop3A_251 = tpu.vector_load %arg5[%parallel_loop3A_250] {strides = array<i32>} : memref<43008xi32, #tpu.memory_space<vmem>>, vector<16xi32>,
        %parallel_loop3A_252 = arith.constant 64 : i32
        %parallel_loop3A_253 = vector.broadcast %parallel_loop3A_252 : i32 to vector<16xi32>
        %parallel_loop3A_254 = arith.cmpi sge, %parallel_loop3A_251, %parallel_loop3A_253 : vector<16xi32>
        %parallel_loop3A_255 = arith.constant 4096 : i32
        %parallel_loop3A_256 = arith.constant 0 : i32
        %parallel_loop3A_257 = vector.broadcast %parallel_loop3A_255 : i32 to vector<16xi32>
        %parallel_loop3A_258 = vector.broadcast %parallel_loop3A_256 : i32 to vector<16xi32>
        %parallel_loop3A_259 = arith.select %parallel_loop3A_254, %parallel_loop3A_257, %parallel_loop3A_258 : vector<16xi1>, vector<16xi32>
        %parallel_loop3A_260 = arith.ori %parallel_loop3A_247, %parallel_loop3A_259 : vector<16xi32>
        %parallel_loop3A_261 = arith.constant 208 : i32
        %parallel_loop3A_262 = arith.addi %parallel_loop3A_87, %parallel_loop3A_261 : i32
        %parallel_loop3A_263 = arith.index_cast %parallel_loop3A_262 : i32 to index
        %parallel_loop3A_264 = tpu.vector_load %arg5[%parallel_loop3A_263] {strides = array<i32>} : memref<43008xi32, #tpu.memory_space<vmem>>, vector<16xi32>,
        %parallel_loop3A_265 = arith.constant 64 : i32
        %parallel_loop3A_266 = vector.broadcast %parallel_loop3A_265 : i32 to vector<16xi32>
        %parallel_loop3A_267 = arith.cmpi sge, %parallel_loop3A_264, %parallel_loop3A_266 : vector<16xi32>
        %parallel_loop3A_268 = arith.constant 8192 : i32
        %parallel_loop3A_269 = arith.constant 0 : i32
        %parallel_loop3A_270 = vector.broadcast %parallel_loop3A_268 : i32 to vector<16xi32>
        %parallel_loop3A_271 = vector.broadcast %parallel_loop3A_269 : i32 to vector<16xi32>
        %parallel_loop3A_272 = arith.select %parallel_loop3A_267, %parallel_loop3A_270, %parallel_loop3A_271 : vector<16xi1>, vector<16xi32>
        %parallel_loop3A_273 = arith.ori %parallel_loop3A_260, %parallel_loop3A_272 : vector<16xi32>
        %parallel_loop3A_274 = arith.constant 224 : i32
        %parallel_loop3A_275 = arith.addi %parallel_loop3A_87, %parallel_loop3A_274 : i32
        %parallel_loop3A_276 = arith.index_cast %parallel_loop3A_275 : i32 to index
        %parallel_loop3A_277 = tpu.vector_load %arg5[%parallel_loop3A_276] {strides = array<i32>} : memref<43008xi32, #tpu.memory_space<vmem>>, vector<16xi32>,
        %parallel_loop3A_278 = arith.constant 64 : i32
        %parallel_loop3A_279 = vector.broadcast %parallel_loop3A_278 : i32 to vector<16xi32>
        %parallel_loop3A_280 = arith.cmpi sge, %parallel_loop3A_277, %parallel_loop3A_279 : vector<16xi32>
        %parallel_loop3A_281 = arith.constant 16384 : i32
        %parallel_loop3A_282 = arith.constant 0 : i32
        %parallel_loop3A_283 = vector.broadcast %parallel_loop3A_281 : i32 to vector<16xi32>
        %parallel_loop3A_284 = vector.broadcast %parallel_loop3A_282 : i32 to vector<16xi32>
        %parallel_loop3A_285 = arith.select %parallel_loop3A_280, %parallel_loop3A_283, %parallel_loop3A_284 : vector<16xi1>, vector<16xi32>
        %parallel_loop3A_286 = arith.ori %parallel_loop3A_273, %parallel_loop3A_285 : vector<16xi32>
        %parallel_loop3A_287 = arith.constant 240 : i32
        %parallel_loop3A_288 = arith.addi %parallel_loop3A_87, %parallel_loop3A_287 : i32
        %parallel_loop3A_289 = arith.index_cast %parallel_loop3A_288 : i32 to index
        %parallel_loop3A_290 = tpu.vector_load %arg5[%parallel_loop3A_289] {strides = array<i32>} : memref<43008xi32, #tpu.memory_space<vmem>>, vector<16xi32>,
        %parallel_loop3A_291 = arith.constant 64 : i32
        %parallel_loop3A_292 = vector.broadcast %parallel_loop3A_291 : i32 to vector<16xi32>
        %parallel_loop3A_293 = arith.cmpi sge, %parallel_loop3A_290, %parallel_loop3A_292 : vector<16xi32>
        %parallel_loop3A_294 = arith.constant 32768 : i32
        %parallel_loop3A_295 = arith.constant 0 : i32
        %parallel_loop3A_296 = vector.broadcast %parallel_loop3A_294 : i32 to vector<16xi32>
        %parallel_loop3A_297 = vector.broadcast %parallel_loop3A_295 : i32 to vector<16xi32>
        %parallel_loop3A_298 = arith.select %parallel_loop3A_293, %parallel_loop3A_296, %parallel_loop3A_297 : vector<16xi1>, vector<16xi32>
        %parallel_loop3A_299 = arith.ori %parallel_loop3A_286, %parallel_loop3A_298 : vector<16xi32>
        %parallel_loop3A_300 = arith.constant 256 : i32
        %parallel_loop3A_301 = arith.addi %parallel_loop3A_87, %parallel_loop3A_300 : i32
        %parallel_loop3A_302 = arith.index_cast %parallel_loop3A_301 : i32 to index
        %parallel_loop3A_303 = tpu.vector_load %arg5[%parallel_loop3A_302] {strides = array<i32>} : memref<43008xi32, #tpu.memory_space<vmem>>, vector<16xi32>,
        %parallel_loop3A_304 = arith.constant 64 : i32
        %parallel_loop3A_305 = vector.broadcast %parallel_loop3A_304 : i32 to vector<16xi32>
        %parallel_loop3A_306 = arith.cmpi sge, %parallel_loop3A_303, %parallel_loop3A_305 : vector<16xi32>
        %parallel_loop3A_307 = arith.constant 65536 : i32
        %parallel_loop3A_308 = arith.constant 0 : i32
        %parallel_loop3A_309 = vector.broadcast %parallel_loop3A_307 : i32 to vector<16xi32>
        %parallel_loop3A_310 = vector.broadcast %parallel_loop3A_308 : i32 to vector<16xi32>
        %parallel_loop3A_311 = arith.select %parallel_loop3A_306, %parallel_loop3A_309, %parallel_loop3A_310 : vector<16xi1>, vector<16xi32>
        %parallel_loop3A_312 = arith.ori %parallel_loop3A_299, %parallel_loop3A_311 : vector<16xi32>
        %parallel_loop3A_313 = arith.constant 272 : i32
        %parallel_loop3A_314 = arith.addi %parallel_loop3A_87, %parallel_loop3A_313 : i32
        %parallel_loop3A_315 = arith.index_cast %parallel_loop3A_314 : i32 to index
        %parallel_loop3A_316 = tpu.vector_load %arg5[%parallel_loop3A_315] {strides = array<i32>} : memref<43008xi32, #tpu.memory_space<vmem>>, vector<16xi32>,
        %parallel_loop3A_317 = arith.constant 64 : i32
        %parallel_loop3A_318 = vector.broadcast %parallel_loop3A_317 : i32 to vector<16xi32>
        %parallel_loop3A_319 = arith.cmpi sge, %parallel_loop3A_316, %parallel_loop3A_318 : vector<16xi32>
        %parallel_loop3A_320 = arith.constant 131072 : i32
        %parallel_loop3A_321 = arith.constant 0 : i32
        %parallel_loop3A_322 = vector.broadcast %parallel_loop3A_320 : i32 to vector<16xi32>
        %parallel_loop3A_323 = vector.broadcast %parallel_loop3A_321 : i32 to vector<16xi32>
        %parallel_loop3A_324 = arith.select %parallel_loop3A_319, %parallel_loop3A_322, %parallel_loop3A_323 : vector<16xi1>, vector<16xi32>
        %parallel_loop3A_325 = arith.ori %parallel_loop3A_312, %parallel_loop3A_324 : vector<16xi32>
        %parallel_loop3A_326 = arith.constant 288 : i32
        %parallel_loop3A_327 = arith.addi %parallel_loop3A_87, %parallel_loop3A_326 : i32
        %parallel_loop3A_328 = arith.index_cast %parallel_loop3A_327 : i32 to index
        %parallel_loop3A_329 = tpu.vector_load %arg5[%parallel_loop3A_328] {strides = array<i32>} : memref<43008xi32, #tpu.memory_space<vmem>>, vector<16xi32>,
        %parallel_loop3A_330 = arith.constant 64 : i32
        %parallel_loop3A_331 = vector.broadcast %parallel_loop3A_330 : i32 to vector<16xi32>
        %parallel_loop3A_332 = arith.cmpi sge, %parallel_loop3A_329, %parallel_loop3A_331 : vector<16xi32>
        %parallel_loop3A_333 = arith.constant 262144 : i32
        %parallel_loop3A_334 = arith.constant 0 : i32
        %parallel_loop3A_335 = vector.broadcast %parallel_loop3A_333 : i32 to vector<16xi32>
        %parallel_loop3A_336 = vector.broadcast %parallel_loop3A_334 : i32 to vector<16xi32>
        %parallel_loop3A_337 = arith.select %parallel_loop3A_332, %parallel_loop3A_335, %parallel_loop3A_336 : vector<16xi1>, vector<16xi32>
        %parallel_loop3A_338 = arith.ori %parallel_loop3A_325, %parallel_loop3A_337 : vector<16xi32>
        %parallel_loop3A_339 = arith.constant 304 : i32
        %parallel_loop3A_340 = arith.addi %parallel_loop3A_87, %parallel_loop3A_339 : i32
        %parallel_loop3A_341 = arith.index_cast %parallel_loop3A_340 : i32 to index
        %parallel_loop3A_342 = tpu.vector_load %arg5[%parallel_loop3A_341] {strides = array<i32>} : memref<43008xi32, #tpu.memory_space<vmem>>, vector<16xi32>,
        %parallel_loop3A_343 = arith.constant 64 : i32
        %parallel_loop3A_344 = vector.broadcast %parallel_loop3A_343 : i32 to vector<16xi32>
        %parallel_loop3A_345 = arith.cmpi sge, %parallel_loop3A_342, %parallel_loop3A_344 : vector<16xi32>
        %parallel_loop3A_346 = arith.constant 524288 : i32
        %parallel_loop3A_347 = arith.constant 0 : i32
        %parallel_loop3A_348 = vector.broadcast %parallel_loop3A_346 : i32 to vector<16xi32>
        %parallel_loop3A_349 = vector.broadcast %parallel_loop3A_347 : i32 to vector<16xi32>
        %parallel_loop3A_350 = arith.select %parallel_loop3A_345, %parallel_loop3A_348, %parallel_loop3A_349 : vector<16xi1>, vector<16xi32>
        %parallel_loop3A_351 = arith.ori %parallel_loop3A_338, %parallel_loop3A_350 : vector<16xi32>
        %parallel_loop3A_352 = arith.constant 320 : i32
        %parallel_loop3A_353 = arith.addi %parallel_loop3A_87, %parallel_loop3A_352 : i32
        %parallel_loop3A_354 = arith.index_cast %parallel_loop3A_353 : i32 to index
        %parallel_loop3A_355 = tpu.vector_load %arg5[%parallel_loop3A_354] {strides = array<i32>} : memref<43008xi32, #tpu.memory_space<vmem>>, vector<16xi32>,
        %parallel_loop3A_356 = arith.constant 64 : i32
        %parallel_loop3A_357 = vector.broadcast %parallel_loop3A_356 : i32 to vector<16xi32>
        %parallel_loop3A_358 = arith.cmpi sge, %parallel_loop3A_355, %parallel_loop3A_357 : vector<16xi32>
        %parallel_loop3A_359 = arith.constant 1048576 : i32
        %parallel_loop3A_360 = arith.constant 0 : i32
        %parallel_loop3A_361 = vector.broadcast %parallel_loop3A_359 : i32 to vector<16xi32>
        %parallel_loop3A_362 = vector.broadcast %parallel_loop3A_360 : i32 to vector<16xi32>
        %parallel_loop3A_363 = arith.select %parallel_loop3A_358, %parallel_loop3A_361, %parallel_loop3A_362 : vector<16xi1>, vector<16xi32>
        %parallel_loop3A_364 = arith.ori %parallel_loop3A_351, %parallel_loop3A_363 : vector<16xi32>
        %parallel_loop3A_365 = arith.constant 336 : i32
        %parallel_loop3A_366 = arith.addi %parallel_loop3A_87, %parallel_loop3A_365 : i32
        %parallel_loop3A_367 = arith.index_cast %parallel_loop3A_366 : i32 to index
        %parallel_loop3A_368 = tpu.vector_load %arg5[%parallel_loop3A_367] {strides = array<i32>} : memref<43008xi32, #tpu.memory_space<vmem>>, vector<16xi32>,
        %parallel_loop3A_369 = arith.constant 64 : i32
        %parallel_loop3A_370 = vector.broadcast %parallel_loop3A_369 : i32 to vector<16xi32>
        %parallel_loop3A_371 = arith.cmpi sge, %parallel_loop3A_368, %parallel_loop3A_370 : vector<16xi32>
        %parallel_loop3A_372 = arith.constant 2097152 : i32
        %parallel_loop3A_373 = arith.constant 0 : i32
        %parallel_loop3A_374 = vector.broadcast %parallel_loop3A_372 : i32 to vector<16xi32>
        %parallel_loop3A_375 = vector.broadcast %parallel_loop3A_373 : i32 to vector<16xi32>
        %parallel_loop3A_376 = arith.select %parallel_loop3A_371, %parallel_loop3A_374, %parallel_loop3A_375 : vector<16xi1>, vector<16xi32>
        %parallel_loop3A_377 = arith.ori %parallel_loop3A_364, %parallel_loop3A_376 : vector<16xi32>
        %parallel_loop3A_378 = arith.constant 352 : i32
        %parallel_loop3A_379 = arith.addi %parallel_loop3A_87, %parallel_loop3A_378 : i32
        %parallel_loop3A_380 = arith.index_cast %parallel_loop3A_379 : i32 to index
        %parallel_loop3A_381 = tpu.vector_load %arg5[%parallel_loop3A_380] {strides = array<i32>} : memref<43008xi32, #tpu.memory_space<vmem>>, vector<16xi32>,
        %parallel_loop3A_382 = arith.constant 64 : i32
        %parallel_loop3A_383 = vector.broadcast %parallel_loop3A_382 : i32 to vector<16xi32>
        %parallel_loop3A_384 = arith.cmpi sge, %parallel_loop3A_381, %parallel_loop3A_383 : vector<16xi32>
        %parallel_loop3A_385 = arith.constant 4194304 : i32
        %parallel_loop3A_386 = arith.constant 0 : i32
        %parallel_loop3A_387 = vector.broadcast %parallel_loop3A_385 : i32 to vector<16xi32>
        %parallel_loop3A_388 = vector.broadcast %parallel_loop3A_386 : i32 to vector<16xi32>
        %parallel_loop3A_389 = arith.select %parallel_loop3A_384, %parallel_loop3A_387, %parallel_loop3A_388 : vector<16xi1>, vector<16xi32>
        %parallel_loop3A_390 = arith.ori %parallel_loop3A_377, %parallel_loop3A_389 : vector<16xi32>
        %parallel_loop3A_391 = arith.constant 368 : i32
        %parallel_loop3A_392 = arith.addi %parallel_loop3A_87, %parallel_loop3A_391 : i32
        %parallel_loop3A_393 = arith.index_cast %parallel_loop3A_392 : i32 to index
        %parallel_loop3A_394 = tpu.vector_load %arg5[%parallel_loop3A_393] {strides = array<i32>} : memref<43008xi32, #tpu.memory_space<vmem>>, vector<16xi32>,
        %parallel_loop3A_395 = arith.constant 64 : i32
        %parallel_loop3A_396 = vector.broadcast %parallel_loop3A_395 : i32 to vector<16xi32>
        %parallel_loop3A_397 = arith.cmpi sge, %parallel_loop3A_394, %parallel_loop3A_396 : vector<16xi32>
        %parallel_loop3A_398 = arith.constant 8388608 : i32
        %parallel_loop3A_399 = arith.constant 0 : i32
        %parallel_loop3A_400 = vector.broadcast %parallel_loop3A_398 : i32 to vector<16xi32>
        %parallel_loop3A_401 = vector.broadcast %parallel_loop3A_399 : i32 to vector<16xi32>
        %parallel_loop3A_402 = arith.select %parallel_loop3A_397, %parallel_loop3A_400, %parallel_loop3A_401 : vector<16xi1>, vector<16xi32>
        %parallel_loop3A_403 = arith.ori %parallel_loop3A_390, %parallel_loop3A_402 : vector<16xi32>
        %parallel_loop3A_404 = arith.constant 384 : i32
        %parallel_loop3A_405 = arith.addi %parallel_loop3A_87, %parallel_loop3A_404 : i32
        %parallel_loop3A_406 = arith.index_cast %parallel_loop3A_405 : i32 to index
        %parallel_loop3A_407 = tpu.vector_load %arg5[%parallel_loop3A_406] {strides = array<i32>} : memref<43008xi32, #tpu.memory_space<vmem>>, vector<16xi32>,
        %parallel_loop3A_408 = arith.constant 64 : i32
        %parallel_loop3A_409 = vector.broadcast %parallel_loop3A_408 : i32 to vector<16xi32>
        %parallel_loop3A_410 = arith.cmpi sge, %parallel_loop3A_407, %parallel_loop3A_409 : vector<16xi32>
        %parallel_loop3A_411 = arith.constant 16777216 : i32
        %parallel_loop3A_412 = arith.constant 0 : i32
        %parallel_loop3A_413 = vector.broadcast %parallel_loop3A_411 : i32 to vector<16xi32>
        %parallel_loop3A_414 = vector.broadcast %parallel_loop3A_412 : i32 to vector<16xi32>
        %parallel_loop3A_415 = arith.select %parallel_loop3A_410, %parallel_loop3A_413, %parallel_loop3A_414 : vector<16xi1>, vector<16xi32>
        %parallel_loop3A_416 = arith.ori %parallel_loop3A_403, %parallel_loop3A_415 : vector<16xi32>
        %parallel_loop3A_417 = arith.constant 400 : i32
        %parallel_loop3A_418 = arith.addi %parallel_loop3A_87, %parallel_loop3A_417 : i32
        %parallel_loop3A_419 = arith.index_cast %parallel_loop3A_418 : i32 to index
        %parallel_loop3A_420 = tpu.vector_load %arg5[%parallel_loop3A_419] {strides = array<i32>} : memref<43008xi32, #tpu.memory_space<vmem>>, vector<16xi32>,
        %parallel_loop3A_421 = arith.constant 64 : i32
        %parallel_loop3A_422 = vector.broadcast %parallel_loop3A_421 : i32 to vector<16xi32>
        %parallel_loop3A_423 = arith.cmpi sge, %parallel_loop3A_420, %parallel_loop3A_422 : vector<16xi32>
        %parallel_loop3A_424 = arith.constant 33554432 : i32
        %parallel_loop3A_425 = arith.constant 0 : i32
        %parallel_loop3A_426 = vector.broadcast %parallel_loop3A_424 : i32 to vector<16xi32>
        %parallel_loop3A_427 = vector.broadcast %parallel_loop3A_425 : i32 to vector<16xi32>
        %parallel_loop3A_428 = arith.select %parallel_loop3A_423, %parallel_loop3A_426, %parallel_loop3A_427 : vector<16xi1>, vector<16xi32>
        %parallel_loop3A_429 = arith.ori %parallel_loop3A_416, %parallel_loop3A_428 : vector<16xi32>
        %parallel_loop3A_430 = arith.constant 416 : i32
        %parallel_loop3A_431 = arith.addi %parallel_loop3A_87, %parallel_loop3A_430 : i32
        %parallel_loop3A_432 = arith.index_cast %parallel_loop3A_431 : i32 to index
        %parallel_loop3A_433 = tpu.vector_load %arg5[%parallel_loop3A_432] {strides = array<i32>} : memref<43008xi32, #tpu.memory_space<vmem>>, vector<16xi32>,
        %parallel_loop3A_434 = arith.constant 64 : i32
        %parallel_loop3A_435 = vector.broadcast %parallel_loop3A_434 : i32 to vector<16xi32>
        %parallel_loop3A_436 = arith.cmpi sge, %parallel_loop3A_433, %parallel_loop3A_435 : vector<16xi32>
        %parallel_loop3A_437 = arith.constant 67108864 : i32
        %parallel_loop3A_438 = arith.constant 0 : i32
        %parallel_loop3A_439 = vector.broadcast %parallel_loop3A_437 : i32 to vector<16xi32>
        %parallel_loop3A_440 = vector.broadcast %parallel_loop3A_438 : i32 to vector<16xi32>
        %parallel_loop3A_441 = arith.select %parallel_loop3A_436, %parallel_loop3A_439, %parallel_loop3A_440 : vector<16xi1>, vector<16xi32>
        %parallel_loop3A_442 = arith.ori %parallel_loop3A_429, %parallel_loop3A_441 : vector<16xi32>
        %parallel_loop3A_443 = arith.constant 432 : i32
        %parallel_loop3A_444 = arith.addi %parallel_loop3A_87, %parallel_loop3A_443 : i32
        %parallel_loop3A_445 = arith.index_cast %parallel_loop3A_444 : i32 to index
        %parallel_loop3A_446 = tpu.vector_load %arg5[%parallel_loop3A_445] {strides = array<i32>} : memref<43008xi32, #tpu.memory_space<vmem>>, vector<16xi32>,
        %parallel_loop3A_447 = arith.constant 64 : i32
        %parallel_loop3A_448 = vector.broadcast %parallel_loop3A_447 : i32 to vector<16xi32>
        %parallel_loop3A_449 = arith.cmpi sge, %parallel_loop3A_446, %parallel_loop3A_448 : vector<16xi32>
        %parallel_loop3A_450 = arith.constant 134217728 : i32
        %parallel_loop3A_451 = arith.constant 0 : i32
        %parallel_loop3A_452 = vector.broadcast %parallel_loop3A_450 : i32 to vector<16xi32>
        %parallel_loop3A_453 = vector.broadcast %parallel_loop3A_451 : i32 to vector<16xi32>
        %parallel_loop3A_454 = arith.select %parallel_loop3A_449, %parallel_loop3A_452, %parallel_loop3A_453 : vector<16xi1>, vector<16xi32>
        %parallel_loop3A_455 = arith.ori %parallel_loop3A_442, %parallel_loop3A_454 : vector<16xi32>
        %parallel_loop3A_456 = arith.constant 448 : i32
        %parallel_loop3A_457 = arith.addi %parallel_loop3A_87, %parallel_loop3A_456 : i32
        %parallel_loop3A_458 = arith.index_cast %parallel_loop3A_457 : i32 to index
        %parallel_loop3A_459 = tpu.vector_load %arg5[%parallel_loop3A_458] {strides = array<i32>} : memref<43008xi32, #tpu.memory_space<vmem>>, vector<16xi32>,
        %parallel_loop3A_460 = arith.constant 64 : i32
        %parallel_loop3A_461 = vector.broadcast %parallel_loop3A_460 : i32 to vector<16xi32>
        %parallel_loop3A_462 = arith.cmpi sge, %parallel_loop3A_459, %parallel_loop3A_461 : vector<16xi32>
        %parallel_loop3A_463 = arith.constant 268435456 : i32
        %parallel_loop3A_464 = arith.constant 0 : i32
        %parallel_loop3A_465 = vector.broadcast %parallel_loop3A_463 : i32 to vector<16xi32>
        %parallel_loop3A_466 = vector.broadcast %parallel_loop3A_464 : i32 to vector<16xi32>
        %parallel_loop3A_467 = arith.select %parallel_loop3A_462, %parallel_loop3A_465, %parallel_loop3A_466 : vector<16xi1>, vector<16xi32>
        %parallel_loop3A_468 = arith.ori %parallel_loop3A_455, %parallel_loop3A_467 : vector<16xi32>
        %parallel_loop3A_469 = arith.constant 464 : i32
        %parallel_loop3A_470 = arith.addi %parallel_loop3A_87, %parallel_loop3A_469 : i32
        %parallel_loop3A_471 = arith.index_cast %parallel_loop3A_470 : i32 to index
        %parallel_loop3A_472 = tpu.vector_load %arg5[%parallel_loop3A_471] {strides = array<i32>} : memref<43008xi32, #tpu.memory_space<vmem>>, vector<16xi32>,
        %parallel_loop3A_473 = arith.constant 64 : i32
        %parallel_loop3A_474 = vector.broadcast %parallel_loop3A_473 : i32 to vector<16xi32>
        %parallel_loop3A_475 = arith.cmpi sge, %parallel_loop3A_472, %parallel_loop3A_474 : vector<16xi32>
        %parallel_loop3A_476 = arith.constant 536870912 : i32
        %parallel_loop3A_477 = arith.constant 0 : i32
        %parallel_loop3A_478 = vector.broadcast %parallel_loop3A_476 : i32 to vector<16xi32>
        %parallel_loop3A_479 = vector.broadcast %parallel_loop3A_477 : i32 to vector<16xi32>
        %parallel_loop3A_480 = arith.select %parallel_loop3A_475, %parallel_loop3A_478, %parallel_loop3A_479 : vector<16xi1>, vector<16xi32>
        %parallel_loop3A_481 = arith.ori %parallel_loop3A_468, %parallel_loop3A_480 : vector<16xi32>
        %parallel_loop3A_482 = arith.constant 480 : i32
        %parallel_loop3A_483 = arith.addi %parallel_loop3A_87, %parallel_loop3A_482 : i32
        %parallel_loop3A_484 = arith.index_cast %parallel_loop3A_483 : i32 to index
        %parallel_loop3A_485 = tpu.vector_load %arg5[%parallel_loop3A_484] {strides = array<i32>} : memref<43008xi32, #tpu.memory_space<vmem>>, vector<16xi32>,
        %parallel_loop3A_486 = arith.constant 64 : i32
        %parallel_loop3A_487 = vector.broadcast %parallel_loop3A_486 : i32 to vector<16xi32>
        %parallel_loop3A_488 = arith.cmpi sge, %parallel_loop3A_485, %parallel_loop3A_487 : vector<16xi32>
        %parallel_loop3A_489 = arith.constant 1073741824 : i32
        %parallel_loop3A_490 = arith.constant 0 : i32
        %parallel_loop3A_491 = vector.broadcast %parallel_loop3A_489 : i32 to vector<16xi32>
        %parallel_loop3A_492 = vector.broadcast %parallel_loop3A_490 : i32 to vector<16xi32>
        %parallel_loop3A_493 = arith.select %parallel_loop3A_488, %parallel_loop3A_491, %parallel_loop3A_492 : vector<16xi1>, vector<16xi32>
        %parallel_loop3A_494 = arith.ori %parallel_loop3A_481, %parallel_loop3A_493 : vector<16xi32>
        %parallel_loop3A_495 = arith.constant 496 : i32
        %parallel_loop3A_496 = arith.addi %parallel_loop3A_87, %parallel_loop3A_495 : i32
        %parallel_loop3A_497 = arith.index_cast %parallel_loop3A_496 : i32 to index
        %parallel_loop3A_498 = tpu.vector_load %arg5[%parallel_loop3A_497] {strides = array<i32>} : memref<43008xi32, #tpu.memory_space<vmem>>, vector<16xi32>,
        %parallel_loop3A_499 = arith.constant 64 : i32
        %parallel_loop3A_500 = vector.broadcast %parallel_loop3A_499 : i32 to vector<16xi32>
        %parallel_loop3A_501 = arith.cmpi sge, %parallel_loop3A_498, %parallel_loop3A_500 : vector<16xi32>
        %parallel_loop3A_502 = arith.constant -2147483648 : i32
        %parallel_loop3A_503 = arith.constant 0 : i32
        %parallel_loop3A_504 = vector.broadcast %parallel_loop3A_502 : i32 to vector<16xi32>
        %parallel_loop3A_505 = vector.broadcast %parallel_loop3A_503 : i32 to vector<16xi32>
        %parallel_loop3A_506 = arith.select %parallel_loop3A_501, %parallel_loop3A_504, %parallel_loop3A_505 : vector<16xi1>, vector<16xi32>
        %parallel_loop3A_507 = arith.ori %parallel_loop3A_494, %parallel_loop3A_506 : vector<16xi32>
        %parallel_loop3A_508 = arith.index_cast %parallel_loop3A_89 : i32 to index
        %parallel_loop3A_509 = tpu.vector_load %arg6[%parallel_loop3A_508] {strides = array<i32>} : memref<31264xi32, #tpu.memory_space<vmem>>, vector<16xi32>,
        tpu.vector_store %arg6[%parallel_loop3A_508], %parallel_loop3A_507 {strides = array<i32>} : memref<31264xi32, #tpu.memory_space<vmem>>, vector<16xi32>,
      } {sc.loop_unroll_factor = 1 : i64, sc.parallel_access}
      %broadcast_in_dim3A = arith.constant 0 : i32
      %broadcast_in_dim3A_44 = vector.broadcast %broadcast_in_dim3A : i32 to vector<16xi32>
      %get3A = arith.constant 32256 : index
      %get3A_45 = tpu.vector_load %arg5[%get3A] {strides = array<i32>} : memref<43008xi32, #tpu.memory_space<vmem>>, vector<16xi32>,
      %ge3A = arith.constant 64 : i32
      %ge3A_46 = vector.broadcast %ge3A : i32 to vector<16xi32>
      %ge3A_47 = arith.cmpi sge, %get3A_45, %ge3A_46 : vector<16xi32>
      %jit3A = arith.constant 1 : i32
      %jit3A_48 = arith.constant 0 : i32
      %broadcast_in_dim3A_49 = vector.broadcast %jit3A : i32 to vector<16xi32>
      %broadcast_in_dim3A_50 = vector.broadcast %jit3A_48 : i32 to vector<16xi32>
      %select_n3A = arith.select %ge3A_47, %broadcast_in_dim3A_49, %broadcast_in_dim3A_50 : vector<16xi1>, vector<16xi32>
      %or3A = arith.ori %broadcast_in_dim3A_44, %select_n3A : vector<16xi32>
      %get3A_51 = arith.constant 32272 : index
      %get3A_52 = tpu.vector_load %arg5[%get3A_51] {strides = array<i32>} : memref<43008xi32, #tpu.memory_space<vmem>>, vector<16xi32>,
      %ge3A_53 = arith.constant 64 : i32
      %ge3A_54 = vector.broadcast %ge3A_53 : i32 to vector<16xi32>
      %ge3A_55 = arith.cmpi sge, %get3A_52, %ge3A_54 : vector<16xi32>
      %jit3A_56 = arith.constant 2 : i32
      %jit3A_57 = arith.constant 0 : i32
      %broadcast_in_dim3A_58 = vector.broadcast %jit3A_56 : i32 to vector<16xi32>
      %broadcast_in_dim3A_59 = vector.broadcast %jit3A_57 : i32 to vector<16xi32>
      %select_n3A_60 = arith.select %ge3A_55, %broadcast_in_dim3A_58, %broadcast_in_dim3A_59 : vector<16xi1>, vector<16xi32>
      %or3A_61 = arith.ori %or3A, %select_n3A_60 : vector<16xi32>
      %get3A_62 = arith.constant 32288 : index
      %get3A_63 = tpu.vector_load %arg5[%get3A_62] {strides = array<i32>} : memref<43008xi32, #tpu.memory_space<vmem>>, vector<16xi32>,
      %ge3A_64 = arith.constant 64 : i32
      %ge3A_65 = vector.broadcast %ge3A_64 : i32 to vector<16xi32>
      %ge3A_66 = arith.cmpi sge, %get3A_63, %ge3A_65 : vector<16xi32>
      %jit3A_67 = arith.constant 4 : i32
      %jit3A_68 = arith.constant 0 : i32
      %broadcast_in_dim3A_69 = vector.broadcast %jit3A_67 : i32 to vector<16xi32>
      %broadcast_in_dim3A_70 = vector.broadcast %jit3A_68 : i32 to vector<16xi32>
      %select_n3A_71 = arith.select %ge3A_66, %broadcast_in_dim3A_69, %broadcast_in_dim3A_70 : vector<16xi1>, vector<16xi32>
      %or3A_72 = arith.ori %or3A_61, %select_n3A_71 : vector<16xi32>
      %get3A_73 = arith.constant 32304 : index
      %get3A_74 = tpu.vector_load %arg5[%get3A_73] {strides = array<i32>} : memref<43008xi32, #tpu.memory_space<vmem>>, vector<16xi32>,
      %ge3A_75 = arith.constant 64 : i32
      %ge3A_76 = vector.broadcast %ge3A_75 : i32 to vector<16xi32>
      %ge3A_77 = arith.cmpi sge, %get3A_74, %ge3A_76 : vector<16xi32>
      %jit3A_78 = arith.constant 8 : i32
      %jit3A_79 = arith.constant 0 : i32
      %broadcast_in_dim3A_80 = vector.broadcast %jit3A_78 : i32 to vector<16xi32>
      %broadcast_in_dim3A_81 = vector.broadcast %jit3A_79 : i32 to vector<16xi32>
      %select_n3A_82 = arith.select %ge3A_77, %broadcast_in_dim3A_80, %broadcast_in_dim3A_81 : vector<16xi1>, vector<16xi32>
      %or3A_83 = arith.ori %or3A_72, %select_n3A_82 : vector<16xi32>
      %swap3A = arith.constant 1008 : index
      %swap3A_84 = tpu.vector_load %arg6[%swap3A] {strides = array<i32>} : memref<31264xi32, #tpu.memory_space<vmem>>, vector<16xi32>,
      tpu.vector_store %arg6[%swap3A], %or3A_83 {strides = array<i32>} : memref<31264xi32, #tpu.memory_space<vmem>>, vector<16xi32>,
    } else {
    }
    %mul3A_14 = arith.constant 2016 : i32
    %mul3A_15 = arith.muli %arg1, %mul3A_14 : i32
    %lt3A_16 = arith.constant 15 : i32
    %lt3A_17 = arith.cmpi slt, %arg1, %lt3A_16 : i32
    %convert_element_type3A_18 = arith.extui %lt3A_17 : i1 to i32
    %cond3A_19 = arith.constant 0 : i32
    %cond3A_20 = arith.cmpi ne, %convert_element_type3A_18, %cond3A_19 : i32
    scf.if %cond3A_20 {
      "tpu.region"() ({
        %run_scoped3A = tpu.sem_alloc : memref<!tpu.dma_semaphore, #tpu.memory_space<semaphore_mem>>
        %dma_start3A_29 = arith.constant 0 : i32
        %dma_start3A_30 = tpu.memref_slice %arg6[%dma_start3A_29] : memref<31264xi32, #tpu.memory_space<vmem>> -> memref<2016xi32, #tpu.memory_space<vmem>>
        %dma_start3A_31 = tpu.memref_slice %arg9[%mul3A_15] : memref<31264xi32, #tpu.memory_space<vmem_shared>> -> memref<2016xi32, #tpu.memory_space<vmem_shared>>
        %dma_start3A_32 = tpu.memref_slice %arg9[%mul3A_15] : memref<31264xi32, #tpu.memory_space<vmem_shared>> -> memref<2016xi32, #tpu.memory_space<vmem_shared>>
        %dma_start3A_33 = arith.constant 0 : i32
        %dma_start3A_34 = tpu.memref_slice %arg6[%dma_start3A_33] : memref<31264xi32, #tpu.memory_space<vmem>> -> memref<2016xi32, #tpu.memory_space<vmem>>
        tpu.enqueue_dma source(%dma_start3A_34 : memref<2016xi32, #tpu.memory_space<vmem>>) target(%dma_start3A_32 : memref<2016xi32, #tpu.memory_space<vmem_shared>>) target_semaphore(%run_scoped3A : memref<!tpu.dma_semaphore, #tpu.memory_space<semaphore_mem>>)
        %dma_wait3A_35 = arith.constant 0 : i32
        %dma_wait3A_36 = tpu.memref_slice %arg6[%dma_wait3A_35] : memref<31264xi32, #tpu.memory_space<vmem>> -> memref<2016xi32, #tpu.memory_space<vmem>>
        %dma_wait3A_37 = tpu.memref_slice %arg9[%mul3A_15] : memref<31264xi32, #tpu.memory_space<vmem_shared>> -> memref<2016xi32, #tpu.memory_space<vmem_shared>>
        %dma_wait3A_38 = tpu.memref_slice %arg9[%mul3A_15] : memref<31264xi32, #tpu.memory_space<vmem_shared>> -> memref<2016xi32, #tpu.memory_space<vmem_shared>>
        %dma_wait3A_39 = arith.constant 0 : i32
        %dma_wait3A_40 = tpu.memref_slice %arg6[%dma_wait3A_39] : memref<31264xi32, #tpu.memory_space<vmem>> -> memref<2016xi32, #tpu.memory_space<vmem>>
        tpu.wait_dma2 semaphore(%run_scoped3A : memref<!tpu.dma_semaphore, #tpu.memory_space<semaphore_mem>>) src(%dma_wait3A_40 : memref<2016xi32, #tpu.memory_space<vmem>>) dst(%dma_wait3A_38 : memref<2016xi32, #tpu.memory_space<vmem_shared>>)
        tpu.yield
      }) : () -> ()
    } else {
    }
    %eq3A_21 = arith.constant 15 : i32
    %eq3A_22 = arith.cmpi eq, %arg1, %eq3A_21 : i32
    %convert_element_type3A_23 = arith.extui %eq3A_22 : i1 to i32
    %cond3A_24 = arith.constant 0 : i32
    %cond3A_25 = arith.cmpi ne, %convert_element_type3A_23, %cond3A_24 : i32
    scf.if %cond3A_25 {
      "tpu.region"() ({
        %run_scoped3A = tpu.sem_alloc : memref<!tpu.dma_semaphore, #tpu.memory_space<semaphore_mem>>
        %dma_start3A_29 = arith.constant 0 : i32
        %dma_start3A_30 = tpu.memref_slice %arg6[%dma_start3A_29] : memref<31264xi32, #tpu.memory_space<vmem>> -> memref<1024xi32, #tpu.memory_space<vmem>>
        %dma_start3A_31 = tpu.memref_slice %arg9[%mul3A_15] : memref<31264xi32, #tpu.memory_space<vmem_shared>> -> memref<1024xi32, #tpu.memory_space<vmem_shared>>
        %dma_start3A_32 = tpu.memref_slice %arg9[%mul3A_15] : memref<31264xi32, #tpu.memory_space<vmem_shared>> -> memref<1024xi32, #tpu.memory_space<vmem_shared>>
        %dma_start3A_33 = arith.constant 0 : i32
        %dma_start3A_34 = tpu.memref_slice %arg6[%dma_start3A_33] : memref<31264xi32, #tpu.memory_space<vmem>> -> memref<1024xi32, #tpu.memory_space<vmem>>
        tpu.enqueue_dma source(%dma_start3A_34 : memref<1024xi32, #tpu.memory_space<vmem>>) target(%dma_start3A_32 : memref<1024xi32, #tpu.memory_space<vmem_shared>>) target_semaphore(%run_scoped3A : memref<!tpu.dma_semaphore, #tpu.memory_space<semaphore_mem>>)
        %dma_wait3A_35 = arith.constant 0 : i32
        %dma_wait3A_36 = tpu.memref_slice %arg6[%dma_wait3A_35] : memref<31264xi32, #tpu.memory_space<vmem>> -> memref<1024xi32, #tpu.memory_space<vmem>>
        %dma_wait3A_37 = tpu.memref_slice %arg9[%mul3A_15] : memref<31264xi32, #tpu.memory_space<vmem_shared>> -> memref<1024xi32, #tpu.memory_space<vmem_shared>>
        %dma_wait3A_38 = tpu.memref_slice %arg9[%mul3A_15] : memref<31264xi32, #tpu.memory_space<vmem_shared>> -> memref<1024xi32, #tpu.memory_space<vmem_shared>>
        %dma_wait3A_39 = arith.constant 0 : i32
        %dma_wait3A_40 = tpu.memref_slice %arg6[%dma_wait3A_39] : memref<31264xi32, #tpu.memory_space<vmem>> -> memref<1024xi32, #tpu.memory_space<vmem>>
        tpu.wait_dma2 semaphore(%run_scoped3A : memref<!tpu.dma_semaphore, #tpu.memory_space<semaphore_mem>>) src(%dma_wait3A_40 : memref<1024xi32, #tpu.memory_space<vmem>>) dst(%dma_wait3A_38 : memref<1024xi32, #tpu.memory_space<vmem_shared>>)
        tpu.yield
      }) : () -> ()
    } else {
    }
    %barrier3A = arith.constant 0 : index
    tpu.barrier barrier_id(%barrier3A)
    "tpu.region"() ({
      %run_scoped3A = tpu.sem_alloc : memref<!tpu.dma_semaphore, #tpu.memory_space<semaphore_mem>>
      tpu.enqueue_dma source(%arg9 : memref<31264xi32, #tpu.memory_space<vmem_shared>>) target(%arg6 : memref<31264xi32, #tpu.memory_space<vmem>>) target_semaphore(%run_scoped3A : memref<!tpu.dma_semaphore, #tpu.memory_space<semaphore_mem>>)
      tpu.wait_dma2 semaphore(%run_scoped3A : memref<!tpu.dma_semaphore, #tpu.memory_space<semaphore_mem>>) src(%arg9 : memref<31264xi32, #tpu.memory_space<vmem_shared>>) dst(%arg6 : memref<31264xi32, #tpu.memory_space<vmem>>)
      tpu.yield
    }) : () -> ()
    %dma_wait3A = tpu.memref_slice %arg3[%mul3A_2] : memref<409600xi32, #tpu.memory_space<hbm>> -> memref<12800xi32, #tpu.memory_space<hbm>>
    %dma_wait3A_26 = tpu.memref_slice %arg3[%mul3A_2] : memref<409600xi32, #tpu.memory_space<hbm>> -> memref<12800xi32, #tpu.memory_space<hbm>>
    tpu.wait_dma2 semaphore(%arg10 : memref<!tpu.dma_semaphore, #tpu.memory_space<semaphore_mem>>) src(%dma_wait3A_26 : memref<12800xi32, #tpu.memory_space<hbm>>) dst(%arg7 : memref<12800xi32, #tpu.memory_space<vmem>>)
    %parallel_loop3A = arith.constant 0 : i32
    %parallel_loop3A_27 = arith.constant 800 : i32
    %parallel_loop3A_28 = arith.constant 1 : i32
    scf.for %parallel_loop3A_29 = %parallel_loop3A to %parallel_loop3A_27 step %parallel_loop3A_28  : i32 {
      %parallel_loop3A_30 = arith.constant 16 : i32
      %parallel_loop3A_31 = arith.muli %parallel_loop3A_29, %parallel_loop3A_30 : i32
      %parallel_loop3A_32 = arith.index_cast %parallel_loop3A_31 : i32 to index
      %parallel_loop3A_33 = tpu.vector_load %arg7[%parallel_loop3A_32] {strides = array<i32>} : memref<12800xi32, #tpu.memory_space<vmem>>, vector<16xi32>,
      %parallel_loop3A_34 = arith.constant 9 : i32
      %parallel_loop3A_35 = vector.broadcast %parallel_loop3A_34 : i32 to vector<16xi32>
      %parallel_loop3A_36 = arith.shrsi %parallel_loop3A_33, %parallel_loop3A_35 : vector<16xi32>
      %parallel_loop3A_37 = arith.constant 4 : i32
      %parallel_loop3A_38 = vector.broadcast %parallel_loop3A_37 : i32 to vector<16xi32>
      %parallel_loop3A_39 = arith.shli %parallel_loop3A_36, %parallel_loop3A_38 : vector<16xi32>
      %parallel_loop3A_40 = arith.constant 15 : i32
      %parallel_loop3A_41 = vector.broadcast %parallel_loop3A_40 : i32 to vector<16xi32>
      %parallel_loop3A_42 = arith.andi %parallel_loop3A_33, %parallel_loop3A_41 : vector<16xi32>
      %parallel_loop3A_43 = arith.ori %parallel_loop3A_39, %parallel_loop3A_42 : vector<16xi32>
      %parallel_loop3A_44 = arith.constant 4 : i32
      %parallel_loop3A_45 = vector.broadcast %parallel_loop3A_44 : i32 to vector<16xi32>
      %parallel_loop3A_46 = arith.shrsi %parallel_loop3A_33, %parallel_loop3A_45 : vector<16xi32>
      %parallel_loop3A_47 = arith.constant 31 : i32
      %parallel_loop3A_48 = vector.broadcast %parallel_loop3A_47 : i32 to vector<16xi32>
      %parallel_loop3A_49 = arith.andi %parallel_loop3A_46, %parallel_loop3A_48 : vector<16xi32>
      %parallel_loop3A_50 = tpu.vector_load_idx %arg6[%parallel_loop3A_43] : memref<31264xi32, #tpu.memory_space<vmem>>[vector<16xi32>], vector<16xi32>,
      %parallel_loop3A_51 = arith.shrsi %parallel_loop3A_50, %parallel_loop3A_49 : vector<16xi32>
      %parallel_loop3A_52 = arith.constant 1 : i32
      %parallel_loop3A_53 = vector.broadcast %parallel_loop3A_52 : i32 to vector<16xi32>
      %parallel_loop3A_54 = arith.andi %parallel_loop3A_51, %parallel_loop3A_53 : vector<16xi32>
      %parallel_loop3A_55 = arith.constant 16 : i32
      %parallel_loop3A_56 = arith.muli %parallel_loop3A_29, %parallel_loop3A_55 : i32
      %parallel_loop3A_57 = arith.index_cast %parallel_loop3A_56 : i32 to index
      %parallel_loop3A_58 = tpu.vector_load %arg8[%parallel_loop3A_57] {strides = array<i32>} : memref<12800xi32, #tpu.memory_space<vmem>>, vector<16xi32>,
      tpu.vector_store %arg8[%parallel_loop3A_57], %parallel_loop3A_54 {strides = array<i32>} : memref<12800xi32, #tpu.memory_space<vmem>>, vector<16xi32>,
    } {sc.loop_unroll_factor = 4 : i64, sc.parallel_access}
    "tpu.region"() ({
      %run_scoped3A = tpu.sem_alloc : memref<!tpu.dma_semaphore, #tpu.memory_space<semaphore_mem>>
      %dma_start3A_29 = tpu.memref_slice %arg4[%mul3A_2] : memref<409600xi32, #tpu.memory_space<hbm>> -> memref<12800xi32, #tpu.memory_space<hbm>>
      %dma_start3A_30 = tpu.memref_slice %arg4[%mul3A_2] : memref<409600xi32, #tpu.memory_space<hbm>> -> memref<12800xi32, #tpu.memory_space<hbm>>
      tpu.enqueue_dma source(%arg8 : memref<12800xi32, #tpu.memory_space<vmem>>) target(%dma_start3A_30 : memref<12800xi32, #tpu.memory_space<hbm>>) target_semaphore(%run_scoped3A : memref<!tpu.dma_semaphore, #tpu.memory_space<semaphore_mem>>)
      %dma_wait3A_31 = tpu.memref_slice %arg4[%mul3A_2] : memref<409600xi32, #tpu.memory_space<hbm>> -> memref<12800xi32, #tpu.memory_space<hbm>>
      %dma_wait3A_32 = tpu.memref_slice %arg4[%mul3A_2] : memref<409600xi32, #tpu.memory_space<hbm>> -> memref<12800xi32, #tpu.memory_space<hbm>>
      tpu.wait_dma2 semaphore(%run_scoped3A : memref<!tpu.dma_semaphore, #tpu.memory_space<semaphore_mem>>) src(%arg8 : memref<12800xi32, #tpu.memory_space<vmem>>) dst(%dma_wait3A_32 : memref<12800xi32, #tpu.memory_space<hbm>>)
      tpu.yield
    }) : () -> ()
    return
  }
}

</mosaic_0001>

<sc_bundles>
// kernel: kernel.3.cloned.1.call-start
scs
__scs_entry_jumppad:
0x0: {  	(pc) =	sbr.rel $0x88, $3  }
0x1: {  	(tag) =	ssettag $0x0;
	lr =	simm.s32 $0x1  }
0x2: {  	[smem:$0x3F9F] =	sst lr;
	_ =	strace $0xD0000000  }
0x3: {  	_ = 	snop  }
0x4: {  	_ = 	snop  }
0x5: {  	_ = 	snop  }
0x6: {  	_ = 	snop  }
0x7: {  	_ = 	snop  }
__scs_overlays_trampoline_lowered:
0x8: {  	[smem:$0x3FAE] =	sst s0  }
0x9: {  	[smem:$0x3FAF] =	sst s1  }
0xa: {  	[smem:$0x3FB0] =	sst s2  }
0xb: {  	[smem:$0x3FB1] =	sst s3  }
0xc: {  	[smem:$0x3FB2] =	sst s4  }
0xd: {  	[smem:$0x3FB3] =	sst s5  }
0xe: {  	[smem:$0x3FB4] =	sst s6  }
0xf: {  	[smem:$0x3FB5] =	sst s7  }
0x10: {  	[smem:$0x3FB6] =	sst s8  }
0x11: {  	[smem:$0x3FB7] =	sst s9;
	s0 =	simm.s32 @!p0 $0x0  }
0x12: {  	s1 =	sld [smem:$0x3F9D];
	s0 =	simm.s32 @p0 $0x1  }
0x13: {  	[smem:$0x3FB8] =	sst s0;
	s0 =	simm.s32 @!p1 $0x0  }
0x14: {  	s2 =	sld [smem:$0x3F9C];
	s0 =	simm.s32 @p1 $0x1  }
0x15: {  	[smem:$0x3FB9] =	sst s0;
	s0 =	simm.s32 @!p2 $0x0  }
0x16: {  	s3 =	sld [smem:$0x3FDB];
	s0 =	simm.s32 @p2 $0x1  }
0x17: {  	s4 =	simm.s32 $0x1BF5;
	[smem:$0x3FBB] =	sst s0  }
0x18: {  	s0 =	sld [smem:$0x3F9E];
	_ =	swait.ge [sflag:s4], $0x0  }
0x19: {  	s7 =	sld [smem:$0x3F9F]  }
0x1a: {  	s8 =	sadd.s32 $0xFFFFE003, lr  }
0x1b: {  	s9 =	sadd.s32 $0xFFFFFEF7, lr;
	s5 =	simm.s32 $0xFFFFFFFF;
	p2 =	slt.u32 s8, $0xFFFFF086  }
0x1c: {  	p1 =	slt.u32 s9, $0xF7A;
	s5 =	simm.s32 @!p2 $0x0  }
0x1d: {  	s5 =	simm.s32 @p1 $0x1;
	p0 =	seq.s32 s7, s2  }
0x1e: {  	s7 =	smul.u32 @!p0 $0xF7A, s2;
	p2 =	seq.s32 @!p0 s5, $0x0  }
0x1f: {  	s9 =	smul.u32 $0xF7A, s1;
	s8 =	simm.s32 @!p0 $0x1BF5;
	p2 =	por !p2, p0  }
0x20: {  	[sflag:s8] =	ssyncset.s32 @!p0 $0xFFFFF086;
	s6 =	sadd.s32 @!p0 s3, s7;
	s7 =	simm.s32 @!p0 $0x108  }
0x21: {  	s3 =	sadd.s32 s3, s9;
	s6 =	sadd.s32 @!p0 $0x88, s6;
	s7 =	simm.s32 @p2 $0x1082  }
0x22: {  	[simem:s7], [sflag:s8] =	dma.local @!p0 [hbm:s6], $0xF7A  }
0x23: {  	s9 =	sor.u32 $0xD0000000, s2;
	s6 =	simm.s32 $0x108;
	_ =	swait.ge @!p0 [sflag:s8], $0x0  }
0x24: {  	s3 =	sadd.s32 $0x88, s3;
	s6 =	simm.s32 @!p1 $0x1082;
	[sflag:s4] =	ssyncset.s32 $0xFFFFF086  }
0x25: {  	[simem:s6], [sflag:s4] =	dma.local [hbm:s3], $0xF7A  }
0x26: {  	[smem:$0x3F9F] =	sst s1;
	(tag) =	ssettag s2;
	_ =	strace s9  }
0x27: {  	s1 =	sld [smem:$0x3FAF]  }
0x28: {  	s2 =	sld [smem:$0x3FB0]  }
0x29: {  	s4 =	sld [smem:$0x3FB2]  }
0x2a: {  	p0 =	seq.s32 s5, $0x0;
	s5 =	sld [smem:$0x3FB3]  }
0x2b: {  	s6 =	sld [smem:$0x3FB4]  }
0x2c: {  	s7 =	sld [smem:$0x3FB5]  }
0x2d: {  	s3 =	simm.s32 $0x108;
	s8 =	sld [smem:$0x3FB6]  }
0x2e: {  	s3 =	simm.s32 @!p0 $0x1082;
	s9 =	sld [smem:$0x3FB7]  }
0x2f: {  	lr =	sadd.s32 s0, s3;
	s0 =	sld [smem:$0x3FAE]  }
0x30: {  	s3 =	sld [smem:$0x3FB1]  }
0x31: {  	[smem:$0x3FBA] =	sst s10  }
0x32: {  	s10 =	sld [smem:$0x3FB8];
	_ =	sdelay $0x3  }
0x33: {  	p0 =	seq.s32 s10, $0x1;
	s10 =	sld [smem:$0x3FBA];
	_ =	sdelay $0x3  }
0x34: {  	[smem:$0x3FBA] =	sst s10  }
0x35: {  	s10 =	sld [smem:$0x3FB9];
	_ =	sdelay $0x3  }
0x36: {  	p1 =	seq.s32 s10, $0x1;
	s10 =	sld [smem:$0x3FBA];
	_ =	sdelay $0x3  }
0x37: {  	[smem:$0x3FBA] =	sst s10  }
0x38: {  	s10 =	sld [smem:$0x3FBB]  }
0x39: {  	_ = 	snop;
	(pc) =	sbr.ind lr, $3  }
0x3a: {  	_ = 	snop  }
0x3b: {  	_ = 	snop  }
0x3c: {  	p2 =	seq.s32 s10, $0x1;
	s10 =	sld [smem:$0x3FBA]  }
0x3d: {  	_ =	shalt  }
0x3e: {  	_ =	shalt  }
0x3f: {  	_ =	shalt  }
0x40: {  	_ =	shalt  }
0x41: {  	_ =	shalt  }
0x42: {  	_ =	shalt  }
0x43: {  	_ =	shalt  }
0x44: {  	_ =	shalt  }
0x45: {  	_ =	shalt  }
0x46: {  	_ =	shalt  }
0x47: {  	_ =	shalt  }
0x48: {  	_ =	shalt  }
0x49: {  	_ =	shalt  }
0x4a: {  	_ =	shalt  }
0x4b: {  	_ =	shalt  }
0x4c: {  	_ =	shalt  }
0x4d: {  	_ =	shalt  }
0x4e: {  	_ =	shalt  }
0x4f: {  	_ =	shalt  }
0x50: {  	_ =	shalt  }
0x51: {  	_ =	shalt  }
0x52: {  	_ =	shalt  }
0x53: {  	_ =	shalt  }
0x54: {  	_ =	shalt  }
0x55: {  	_ =	shalt  }
0x56: {  	_ =	shalt  }
0x57: {  	_ =	shalt  }
0x58: {  	_ =	shalt  }
0x59: {  	_ =	shalt  }
0x5a: {  	_ =	shalt  }
0x5b: {  	_ =	shalt  }
0x5c: {  	_ =	shalt  }
0x5d: {  	_ =	shalt  }
0x5e: {  	_ =	shalt  }
0x5f: {  	_ =	shalt  }
0x60: {  	_ =	shalt  }
0x61: {  	_ =	shalt  }
0x62: {  	_ =	shalt  }
0x63: {  	_ =	shalt  }
0x64: {  	_ =	shalt  }
0x65: {  	_ =	shalt  }
0x66: {  	_ =	shalt  }
0x67: {  	_ =	shalt  }
0x68: {  	_ =	shalt  }
0x69: {  	_ =	shalt  }
0x6a: {  	_ =	shalt  }
0x6b: {  	_ =	shalt  }
0x6c: {  	_ =	shalt  }
0x6d: {  	_ =	shalt  }
0x6e: {  	_ =	shalt  }
0x6f: {  	_ =	shalt  }
0x70: {  	_ =	shalt  }
0x71: {  	_ =	shalt  }
0x72: {  	_ =	shalt  }
0x73: {  	_ =	shalt  }
0x74: {  	_ =	shalt  }
0x75: {  	_ =	shalt  }
0x76: {  	_ =	shalt  }
0x77: {  	_ =	shalt  }
0x78: {  	_ =	shalt  }
0x79: {  	_ =	shalt  }
0x7a: {  	_ =	shalt  }
0x7b: {  	_ =	shalt  }
0x7c: {  	_ =	shalt  }
0x7d: {  	_ =	shalt  }
0x7e: {  	_ =	shalt  }
0x7f: {  	_ =	shalt  }
0x80: {  	_ =	shalt  }
0x81: {  	_ =	shalt  }
0x82: {  	_ =	shalt  }
0x83: {  	_ =	shalt  }
0x84: {  	_ =	shalt  }
0x85: {  	_ =	shalt  }
0x86: {  	_ =	shalt  }
0x87: {  	_ =	shalt  }
.Lfunc_end0:
.L_simem_size_0:
called_computation_lowered:
.L_overlay_start_0:
0x88: {  	s2 =	sld [smem:$0x3FD9]  }
0x89: {  	s3 =	sld [smem:$0x3FFE];
	_ =	sdelay $0x1  }
0x8a: {  	s1 =	srdreg.scid  }
0x8b: {  	s0 =	sand.u32 $0x1, s1  }
0x8c: {  	s17 =	sshll.u32 s0, $0xA;
	s2 =	sadd.s32 s3, s2  }
0x8d: {  	s2 =	sadd.s32 s2, s17  }
0x8e: {  	[smem:$0x3FC6] =	sst s2  }
0x8f: {  	_ = 	snop  }
0x90: {  	s2 =	sld [smem:$0x3FC9]  }
0x91: {  	s18 =	sld [smem:$0x3FC8];
	(tm) =	ssettm $0x1  }
0x92: {  	s4 =	sld [smem:$0x3FFB];
	_ =	sdelay $0x3  }
0x93: {  	_ =	strace s4  }
0x94: {  	s4 =	sld [smem:$0x3FFC];
	_ =	sdelay $0x3  }
0x95: {  	_ =	strace s4  }
0x96: {  	s4 =	sld [smem:$0x3FFD];
	_ =	sdelay $0x3  }
0x97: {  	_ =	strace s4  }
0x98: {  	_ =	strace $0x8FFFFFFF  }
0x99: {  	s19 =	sld [smem:$0x3FDB];
	_ =	sdelay $0x1  }
0x9a: {  	s5 =	simm.s32 $_scs_section_size  }
0x9b: {  	s6 =	simm.s32 $_size__tile_overlayer_lowered;
	s7 =	simm.s32 $_tile_overlayer_lowered  }
0x9c: {  	s22 =	simm.s32 $0x1BFF;
	s21 =	sshll.u32 s7, $0x1;
	s4 =	sadd.s32 s5, s19  }
0x9d: {  	s8 =	simm.s32 $0x0;
	s20 =	sshll.u32 s6, $0x1;
	s6 =	sadd.s32 s21, s4  }
0x9e: {  	[timem:s8], [sflag:s22] =	dma.local [hbm:s6], s20  }
0x9f: {  	_ =	swait.ge [sflag:s22], s20  }
0xa0: {  	s5 =	ssub.s32 $0x0, s20;
	[sflag:s22] =	ssyncset.done $0x0  }
0xa1: {  	[sflag:s22] =	ssyncadd.s32 s5;
	_ =	sdelay $0x1  }
0xa2: {  	s23 =	simm.s32 $0x1B8B  }
0xa3: {  	_ =	swait.ge [sflag:s23], $0x1  }
0xa4: {  	[sflag:s23] =	ssyncset.done $0x0  }
0xa5: {  	s25 =	simm.s32 $0x1B8E;
	s24 =	sld [smem:$0x3FFE];
	[sflag:s23] =	ssyncadd.s32 $0xFFFFFFFF  }
0xa6: {  	s26 =	simm.s32 $execute0_lowered;
	[smem:$0x3FD2] =	sst s25  }
0xa7: {  	s6 =	sshll.u32 s26, $0x1;
	_ =	strace $0x80000046;
	[dreg:$0x1] =	wrdreg $0xFFFFFFFF  }
0xa8: {  	s28 =	simm.s32 $_size_execute0_lowered;
	s4 =	sadd.s32 s4, s6;
	[dreg:$0x0] =	wrdreg $0x0  }
0xa9: {  	s6 =	sshll.u32 s28, $0x1;
	[dreg:$0x2] =	wrdreg s4  }
0xaa: {  	[dreg:$0x3] =	wrdreg s6  }
0xab: {  	[dreg:$0x4] =	wrdreg $0xC0  }
0xac: {  	_ =	task [dreg:s8], $0x5FFFF  }
0xad: {  	[dreg:$0x1] =	wrdreg $0xFFFFFFFF  }
0xae: {  	[dreg:$0x0] =	wrdreg $0x60  }
0xaf: {  	[dreg:$0x2] =	wrdreg s2  }
0xb0: {  	[dreg:$0x3] =	wrdreg s18  }
0xb1: {  	[dreg:$0x4] =	wrdreg s24  }
0xb2: {  	[dreg:$0x5] =	wrdreg $0x186800  }
0xb3: {  	[dreg:$0x6] =	wrdreg $0x9  }
0xb4: {  	_ =	task.clear_ibuf [dreg:s8], $0x7FFFF;
	_ =	strace $0x90000046  }
0xb5: {  	s29 =	simm.s32 $0x9;
	_ =	strace $0x80000048  }
0xb6: {  	_ =	swait.ge [sflag:s29], $0x1  }
0xb7: {  	[sflag:s29] =	ssyncadd.s32 $0xFFFFFFFF  }
0xb8: {  	_ =	strace $0x90000048  }
0xb9: {  	_ =	sfence  }
0xba: {  	s30 =	sld [smem:$0x0];
	_ =	sdelay $0x2  }
0xbb: {  	s31 =	sshll.u32 s1, $0xD;
	s1 =	sshrl.u32 s1, $0x2  }
0xbc: {  	s3 =	sand.u32 $0x4000, s31;
	s1 =	sadd.s32 s1, s30  }
0xbd: {  	s0 =	sor.u32 s3, s0;
	s1 =	sshll.u32 s1, $0x11  }
0xbe: {  	s0 =	sor.u32 s1, s0  }
0xbf: {  	s0 =	sadd.s32 $0x8F2B, s0  }
0xc0: {  	[sflag:s0] =	ssyncadd.remote.s32 $0x1  }
0xc1: {  	_ =	sfence.sel $0xFFFF  }
0xc2: {  	[dreg:$0x0] =	wrdreg $0xFFFFFFFF;
	(pc) =	sbr.abs _section_cstart, $3  }
0xc3: {  	[dreg:$0x1] =	wrdreg $0xFFFFFFFF  }
0xc4: {  	_ =	task.clear_ibuf [dreg:s8], $0x2FFFF;
	_ =	strace $0x9FFFFFFF  }
0xc5: {  	(tm) =	ssettm $0x7FFFFFFF  }
tec
execute0_lowered:
.L_overlay_start_1:
0x0: {  	(tag) =	ssettag $0x1  }
0x1: {  	s1 =	rddreg [dreg:$0x0]  }
0x2: {  	s6 =	rddreg [dreg:$0x1]  }
0x3: {  	s2 =	srdreg.scid;
	s7 =	rddreg [dreg:$0x2]  }
0x4: {  	s0 =	stileid.u32;
	s3 =	rddreg [dreg:$0x3]  }
0x5: {  	s4 =	simm.s32 $0x0;
	s14 =	simm.s32 $0xA800;
	s15 =	simm.s32 $0x3  }
0x6: {  	s16 =	simm.s32 $0x1;
	s17 =	simm.s32 $0x15480;
	s18 =	simm.s32 $0x0  }
0x7: {  	s5 =	sand.u32 $0x1, s2;
	s29 =	sshll.u32 s0, $0x1;
	s2 =	rddreg [dreg:$0x4]  }
0x8: {  	[smem:$0x7FF] =	sst s4;
	s11 =	smul.u32 $0x1F80, s0;
	p0 =	seq.s32 s0, $0xF  }
0x9: {  	s8 =	sor.u32 s5, s29;
	s9 =	ssub.s32 $0x2, s5;
	s5 =	smul.u32 $0xFC00, s0  }
0xa: {  	_ =	strace $0x80000047;
	s8 =	smul.u32 $0x640, s8;
	s10 =	sshrl.u32 s9, $0x1  }
0xb: {  	s31 =	sshrl.u32 s11, $0x2;
	s13 =	ssub.s32 s9, s10;
	s30 =	sshrl.u32 s5, $0x3  }
0xc: {  	s9 =	sadd.s32 $0x1D880, s1;
	s12 =	sadd.s32 s8, s7;
	s6 =	sadd.s32 s6, s8  }
0xd: {  	s7 =	sadd.s32 s1, s30;
	s8 =	sadd.s32 s31, s3;
	s11 =	smax.u32 s13, $0x1  }
0xe: {  	v0 =	vimm.s32 $0x0;
	v1 =	vimm.s32 $0x40;
	s13 =	simm.s32 $0x2;
	s10 =	sadd.s32 $0x400, s12;
	s12 =	simm.s32 $0x12280  }
.LBB2_1:
.Ltmp0:
0xf: {  	(pc) =	sbr.rel @!p0 .LBB2_2-.Ltmp0, $3  }
0x10: {  	_ =	sdelay $0x1  }
0x11: {  	[tilespmem:s12], [sflag:$0x1] =	stream.linear.gather [hbm4b:s6+s4], $0x3200, $0x38;
	[tilespmem:$0x18E28] =	vst v63  }
0x12: {  	s19 =	simm.s32 $0x0  }
0x13: {  	[tilespmem:s19], [sflag:$0x2] =	stream.linear.gather [hbm4b:s9+s19], $0x7E40, $0x38;
	[tilespmem:$0x18E28] =	vst v63  }
0x14: {  	_ =	swait.ge [sflag:s13], $0x7E40  }
0x15: {  	[sflag:s13] =	ssyncset.done $0x0  }
0x16: {  	s20 =	simm.s32 $0x100;
	[sflag:s13] =	ssyncadd.s32 $0xFFFF81C0  }
0x17: {  	v2 =	vld [tilespmem:s20+$0xFFFFFF00]  }
0x18: {  	v3 =	vld [tilespmem:s20+$0xFFFFFF10]  }
0x19: {  	v4 =	vld [tilespmem:s20+$0xFFFFFF20]  }
0x1a: {  	v5 =	vld [tilespmem:s20+$0xFFFFFF30]  }
0x1b: {  	v6 =	vld [tilespmem:s20+$0xFFFFFF40]  }
0x1c: {  	v7 =	vld [tilespmem:s20+$0xFFFFFF50]  }
0x1d: {  	vm0 =	vgt.s32 v2, $0x3F;
	vm1 =	vgt.s32 v3, $0x3F;
	v2 =	vld [tilespmem:s20+$0xFFFFFF60]  }
0x1e: {  	v3 =	vsel vm0, $0x1, v0;
	v8 =	vsel vm1, $0x2, v0;
	vm0 =	vgt.s32 v4, $0x3F;
	v4 =	vld [tilespmem:s20+$0xFFFFFF70]  }
0x1f: {  	v3 =	vor.u32 v3, v8;
	v8 =	vsel vm0, $0x4, v0;
	vm0 =	vgt.s32 v5, $0x3F;
	v5 =	vld [tilespmem:s20+$0xFFFFFF80]  }
0x20: {  	v3 =	vor.u32 v8, v3;
	v8 =	vsel vm0, $0x8, v0;
	vm0 =	vgt.s32 v6, $0x3F;
	v6 =	vld [tilespmem:s20+$0xFFFFFF90]  }
0x21: {  	v3 =	vor.u32 v8, v3;
	v8 =	vsel vm0, $0x10, v0;
	vm0 =	vgt.s32 v7, $0x3F;
	v7 =	vld [tilespmem:s20+$0xFFFFFFA0]  }
0x22: {  	v3 =	vor.u32 v8, v3;
	v8 =	vsel vm0, $0x20, v0;
	vm0 =	vlt.s32 v2, $0x40;
	v2 =	vld [tilespmem:s20+$0xFFFFFFB0]  }
0x23: {  	v3 =	vor.u32 v8, v3;
	v8 =	vsel vm0, $0x0, v1;
	vm0 =	vgt.s32 v4, $0x3F;
	v4 =	vld [tilespmem:s20+$0xFFFFFFC0]  }
0x24: {  	v3 =	vor.u32 v8, v3;
	v8 =	vsel vm0, $0x80, v0;
	vm0 =	vgt.s32 v5, $0x3F;
	v5 =	vld [tilespmem:s20+$0xFFFFFFD0]  }
0x25: {  	v3 =	vor.u32 v8, v3;
	v8 =	vsel vm0, $0x100, v0;
	vm0 =	vgt.s32 v6, $0x3F;
	v6 =	vld [tilespmem:s20+$0xFFFFFFE0]  }
0x26: {  	v3 =	vor.u32 v8, v3;
	v8 =	vsel vm0, $0x200, v0;
	vm0 =	vgt.s32 v7, $0x3F;
	v7 =	vld [tilespmem:s20+$0xFFFFFFF0]  }
0x27: {  	v3 =	vor.u32 v8, v3;
	v8 =	vsel vm0, $0x400, v0;
	vm0 =	vgt.s32 v2, $0x3F;
	v2 =	vld [tilespmem:s20+$0x0]  }
0x28: {  	v3 =	vor.u32 v8, v3;
	v8 =	vsel vm0, $0x800, v0;
	vm0 =	vgt.s32 v4, $0x3F;
	v4 =	vld [tilespmem:s20+$0x10]  }
0x29: {  	v3 =	vor.u32 v8, v3;
	v8 =	vsel vm0, $0x1000, v0;
	vm0 =	vgt.s32 v5, $0x3F;
	v5 =	vld [tilespmem:s20+$0x20]  }
0x2a: {  	v3 =	vor.u32 v8, v3;
	v8 =	vsel vm0, $0x2000, v0;
	vm0 =	vgt.s32 v6, $0x3F;
	v6 =	vld [tilespmem:s20+$0x30]  }
0x2b: {  	v3 =	vor.u32 v8, v3;
	v8 =	vsel vm0, $0x4000, v0;
	vm0 =	vgt.s32 v7, $0x3F;
	v7 =	vld [tilespmem:s20+$0x40]  }
0x2c: {  	v3 =	vor.u32 v8, v3;
	v8 =	vsel vm0, $0x8000, v0;
	vm0 =	vgt.s32 v2, $0x3F;
	v2 =	vld [tilespmem:s20+$0x50]  }
0x2d: {  	v3 =	vor.u32 v8, v3;
	v8 =	vsel vm0, $0x10000, v0;
	vm0 =	vgt.s32 v4, $0x3F;
	v4 =	vld [tilespmem:s20+$0x60]  }
0x2e: {  	v3 =	vor.u32 v8, v3;
	v8 =	vsel vm0, $0x20000, v0;
	vm0 =	vgt.s32 v5, $0x3F;
	v5 =	vld [tilespmem:s20+$0x70]  }
0x2f: {  	v3 =	vor.u32 v8, v3;
	v8 =	vsel vm0, $0x40000, v0;
	vm0 =	vgt.s32 v6, $0x3F;
	v6 =	vld [tilespmem:s20+$0x80]  }
0x30: {  	v3 =	vor.u32 v8, v3;
	v8 =	vsel vm0, $0x80000, v0;
	vm0 =	vgt.s32 v7, $0x3F;
	v7 =	vld [tilespmem:s20+$0x90]  }
0x31: {  	v3 =	vor.u32 v8, v3;
	v8 =	vsel vm0, $0x100000, v0;
	vm0 =	vgt.s32 v2, $0x3F;
	v2 =	vld [tilespmem:s20+$0xA0]  }
0x32: {  	v9 =	vld [tilespmem:s20+$0xB0];
	v3 =	vor.u32 v8, v3;
	v8 =	vsel vm0, $0x200000, v0;
	vm0 =	vgt.s32 v4, $0x3F  }
0x33: {  	v10 =	vld [tilespmem:s20+$0xC0];
	v3 =	vor.u32 v8, v3;
	v4 =	vsel vm0, $0x400000, v0;
	vm0 =	vgt.s32 v5, $0x3F  }
0x34: {  	v3 =	vor.u32 v4, v3;
	v5 =	vsel vm0, $0x800000, v0;
	vm0 =	vgt.s32 v6, $0x3F;
	v4 =	vld [tilespmem:s20+$0xD0]  }
0x35: {  	v5 =	vor.u32 v5, v3;
	v6 =	vsel vm0, $0x1000000, v0;
	vm0 =	vgt.s32 v7, $0x3F;
	v3 =	vld [tilespmem:s20+$0xE0]  }
0x36: {  	s21 =	simm.s32 $0x300;
	v6 =	vor.u32 v6, v5;
	v7 =	vsel vm0, $0x2000000, v0;
	vm0 =	vgt.s32 v2, $0x3F;
	v2 =	vld [tilespmem:s20+$0xF0]  }
0x37: {  	v8 =	vld [tilespmem:s21+$0xFFFFFF10];
	v6 =	vor.u32 v7, v6;
	v7 =	vsel vm0, $0x4000000, v0;
	vm0 =	vgt.s32 v9, $0x3F  }
0x38: {  	s22 =	simm.s32 $0x80;
	v5 =	vld [tilespmem:s21+$0xFFFFFF00];
	s20 =	simm.s32 $0x40;
	v6 =	vor.u32 v7, v6;
	v7 =	vsel vm0, $0x8000000, v0;
	vm0 =	vgt.s32 v10, $0x3F  }
.LBB2_8:
0x39: {  	p1 =	sne.s32 s22, $0xF80;
	v9 =	vld [tilespmem:s21+$0xFFFFFF20];
	v6 =	vor.u32 v7, v6;
	v7 =	vsel vm0, $0x10000000, v0;
	vm0 =	vgt.s32 v4, $0x3F  }
0x3a: {  	v4 =	vld [tilespmem:s21+$0xFFFFFF30];
	v6 =	vor.u32 v7, v6;
	v7 =	vsel vm0, $0x20000000, v0;
	vm0 =	vgt.s32 v3, $0x3F  }
0x3b: {  	v3 =	vld [tilespmem:s21+$0xFFFFFF40];
	v6 =	vor.u32 v7, v6;
	v7 =	vsel vm0, $0x40000000, v0;
	vm0 =	vgt.s32 v2, $0x3F  }
0x3c: {  	v2 =	vld [tilespmem:s21+$0xFFFFFF50];
	v6 =	vor.u32 v7, v6;
	v7 =	vsel vm0, $0x80000000, v0  }
0x3d: {  	s23 =	sshra.s32 s19, $0x2;
	s19 =	smov.u32 s20;
	s20 =	smov.u32 s22;
	vm0 =	vgt.s32 v5, $0x3F;
	vm1 =	vgt.s32 v8, $0x3F;
	v5 =	vld [tilespmem:s21+$0xFFFFFF60];
	v6 =	vor.u32 v7, v6  }
0x3e: {  	v7 =	vsel vm0, $0x1, v0;
	v8 =	vsel vm1, $0x2, v0;
	vm0 =	vgt.s32 v9, $0x3F;
	v9 =	vld [tilespmem:s21+$0xFFFFFF70];
	[tilespmem:s23+$0xA800] =	vst v6  }
0x3f: {  	v6 =	vor.u32 v7, v8;
	v7 =	vsel vm0, $0x4, v0;
	vm0 =	vgt.s32 v4, $0x3F;
	v4 =	vld [tilespmem:s21+$0xFFFFFF80]  }
0x40: {  	v6 =	vor.u32 v7, v6;
	v7 =	vsel vm0, $0x8, v0;
	vm0 =	vgt.s32 v3, $0x3F;
	v3 =	vld [tilespmem:s21+$0xFFFFFF90]  }
0x41: {  	v6 =	vor.u32 v7, v6;
	v7 =	vsel vm0, $0x10, v0;
	vm0 =	vgt.s32 v2, $0x3F;
	v2 =	vld [tilespmem:s21+$0xFFFFFFA0]  }
0x42: {  	v6 =	vor.u32 v7, v6;
	v7 =	vsel vm0, $0x20, v0;
	vm0 =	vlt.s32 v5, $0x40;
	v5 =	vld [tilespmem:s21+$0xFFFFFFB0]  }
0x43: {  	v6 =	vor.u32 v7, v6;
	v7 =	vsel vm0, $0x0, v1;
	vm0 =	vgt.s32 v9, $0x3F;
	v8 =	vld [tilespmem:s21+$0xFFFFFFC0]  }
0x44: {  	v6 =	vor.u32 v7, v6;
	v7 =	vsel vm0, $0x80, v0;
	vm0 =	vgt.s32 v4, $0x3F;
	v4 =	vld [tilespmem:s21+$0xFFFFFFD0]  }
0x45: {  	v6 =	vor.u32 v7, v6;
	v7 =	vsel vm0, $0x100, v0;
	vm0 =	vgt.s32 v3, $0x3F;
	v3 =	vld [tilespmem:s21+$0xFFFFFFE0]  }
0x46: {  	v6 =	vor.u32 v7, v6;
	v7 =	vsel vm0, $0x200, v0;
	vm0 =	vgt.s32 v2, $0x3F;
	v2 =	vld [tilespmem:s21+$0xFFFFFFF0]  }
0x47: {  	v6 =	vor.u32 v7, v6;
	v7 =	vsel vm0, $0x400, v0;
	vm0 =	vgt.s32 v5, $0x3F;
	v5 =	vld [tilespmem:s21+$0x0]  }
0x48: {  	v6 =	vor.u32 v7, v6;
	v7 =	vsel vm0, $0x800, v0;
	vm0 =	vgt.s32 v8, $0x3F;
	v8 =	vld [tilespmem:s21+$0x10]  }
0x49: {  	v6 =	vor.u32 v7, v6;
	v7 =	vsel vm0, $0x1000, v0;
	vm0 =	vgt.s32 v4, $0x3F;
	v4 =	vld [tilespmem:s21+$0x20]  }
0x4a: {  	v6 =	vor.u32 v7, v6;
	v7 =	vsel vm0, $0x2000, v0;
	vm0 =	vgt.s32 v3, $0x3F;
	v3 =	vld [tilespmem:s21+$0x30]  }
0x4b: {  	v6 =	vor.u32 v7, v6;
	v7 =	vsel vm0, $0x4000, v0;
	vm0 =	vgt.s32 v2, $0x3F;
	v2 =	vld [tilespmem:s21+$0x40]  }
0x4c: {  	v6 =	vor.u32 v7, v6;
	v7 =	vsel vm0, $0x8000, v0;
	vm0 =	vgt.s32 v5, $0x3F;
	v5 =	vld [tilespmem:s21+$0x50]  }
0x4d: {  	v6 =	vor.u32 v7, v6;
	v7 =	vsel vm0, $0x10000, v0;
	vm0 =	vgt.s32 v8, $0x3F;
	v8 =	vld [tilespmem:s21+$0x60]  }
0x4e: {  	v6 =	vor.u32 v7, v6;
	v7 =	vsel vm0, $0x20000, v0;
	vm0 =	vgt.s32 v4, $0x3F;
	v4 =	vld [tilespmem:s21+$0x70]  }
0x4f: {  	v6 =	vor.u32 v7, v6;
	v7 =	vsel vm0, $0x40000, v0;
	vm0 =	vgt.s32 v3, $0x3F;
	v3 =	vld [tilespmem:s21+$0x80]  }
0x50: {  	v6 =	vor.u32 v7, v6;
	v7 =	vsel vm0, $0x80000, v0;
	vm0 =	vgt.s32 v2, $0x3F;
	v2 =	vld [tilespmem:s21+$0x90]  }
0x51: {  	v6 =	vor.u32 v7, v6;
	v7 =	vsel vm0, $0x100000, v0;
	vm0 =	vgt.s32 v5, $0x3F;
	v5 =	vld [tilespmem:s21+$0xA0]  }
0x52: {  	v6 =	vor.u32 v7, v6;
	v7 =	vsel vm0, $0x200000, v0;
	vm0 =	vgt.s32 v8, $0x3F;
	v8 =	vld [tilespmem:s21+$0xB0]  }
0x53: {  	v6 =	vor.u32 v7, v6;
	v7 =	vsel vm0, $0x400000, v0;
	vm0 =	vgt.s32 v4, $0x3F;
	v9 =	vld [tilespmem:s21+$0xC0]  }
.Ltmp1:
0x54: {  	v6 =	vor.u32 v7, v6;
	v7 =	vsel vm0, $0x800000, v0;
	vm0 =	vgt.s32 v3, $0x3F;
	v4 =	vld [tilespmem:s21+$0xD0];
	(pc) =	sbr.rel @p1 .LBB2_8-.Ltmp1, $4  }
0x55: {  	v6 =	vor.u32 v7, v6;
	v7 =	vsel vm0, $0x1000000, v0;
	vm0 =	vgt.s32 v2, $0x3F;
	v3 =	vld [tilespmem:s21+$0xE0]  }
0x56: {  	v6 =	vor.u32 v7, v6;
	v7 =	vsel vm0, $0x2000000, v0;
	vm0 =	vgt.s32 v5, $0x3F;
	v2 =	vld [tilespmem:s21+$0xF0];
	s21 =	sadd.s32 $0x200, s21  }
0x57: {  	v5 =	vld [tilespmem:s21+$0xFFFFFF00];
	v6 =	vor.u32 v7, v6;
	v7 =	vsel vm0, $0x4000000, v0;
	vm0 =	vgt.s32 v8, $0x3F  }
0x58: {  	s22 =	sadd.s32 $0x40, s22;
	v8 =	vld [tilespmem:s21+$0xFFFFFF10];
	v6 =	vor.u32 v7, v6;
	v7 =	vsel vm0, $0x8000000, v0;
	vm0 =	vgt.s32 v9, $0x3F  }
0x59: {  	v9 =	vld [tilespmem:s21+$0xFFFFFF20]  }
0x5a: {  	v10 =	vld [tilespmem:s21+$0xFFFFFF30]  }
0x5b: {  	v11 =	vld [tilespmem:s21+$0xFFFFFF40]  }
0x5c: {  	v12 =	vld [tilespmem:s21+$0xFFFFFF50]  }
0x5d: {  	v53 =	vld [tilespmem:s21+$0xFFFFFF60]  }
0x5e: {  	v55 =	vld [tilespmem:s21+$0xFFFFFF70]  }
0x5f: {  	v57 =	vld [tilespmem:s21+$0xFFFFFF80];
	v6 =	vor.u32 v7, v6  }
0x60: {  	v59 =	vld [tilespmem:s21+$0xFFFFFF90];
	v21 =	vsel vm0, $0x10000000, v0;
	vm1 =	vgt.s32 v5, $0x3F;
	vm2 =	vgt.s32 v8, $0x3F  }
0x61: {  	v61 =	vld [tilespmem:s21+$0xFFFFFFA0];
	v6 =	vor.u32 v21, v6;
	v54 =	vsel vm1, $0x1, v0;
	v13 =	vsel vm2, $0x2, v0  }
0x62: {  	v16 =	vld [tilespmem:s21+$0xFFFFFFB0];
	vm15 =	vgt.s32 v9, $0x3F;
	vm4 =	vgt.s32 v10, $0x3F;
	vm5 =	vgt.s32 v11, $0x3F  }
0x63: {  	v18 =	vld [tilespmem:s21+$0xFFFFFFC0];
	vm6 =	vgt.s32 v12, $0x3F;
	vm7 =	vlt.s32 v53, $0x40;
	vm8 =	vgt.s32 v55, $0x3F  }
0x64: {  	v20 =	vld [tilespmem:s21+$0xFFFFFFD0];
	vm9 =	vgt.s32 v57, $0x3F;
	v8 =	vor.u32 v54, v13;
	v56 =	vsel vm15, $0x4, v0  }
0x65: {  	vm10 =	vgt.s32 v59, $0x3F;
	v58 =	vsel vm4, $0x8, v0;
	v8 =	vor.u32 v56, v8  }
0x66: {  	v23 =	vld [tilespmem:s21+$0xFFFFFFE0];
	vm11 =	vgt.s32 v61, $0x3F;
	v60 =	vsel vm5, $0x10, v0;
	v8 =	vor.u32 v58, v8  }
0x67: {  	v25 =	vld [tilespmem:s21+$0xFFFFFFF0];
	vm12 =	vgt.s32 v16, $0x3F;
	v62 =	vsel vm6, $0x20, v0;
	v8 =	vor.u32 v60, v8  }
0x68: {  	v27 =	vld [tilespmem:s21+$0x0];
	vm13 =	vgt.s32 v18, $0x3F;
	v17 =	vsel vm7, $0x0, v1;
	v63 =	vor.u32 v62, v8  }
0x69: {  	v29 =	vld [tilespmem:s21+$0x10];
	vm14 =	vgt.s32 v20, $0x3F;
	v19 =	vsel vm8, $0x80, v0;
	v5 =	vor.u32 v17, v63  }
0x6a: {  	v32 =	vld [tilespmem:s21+$0x20];
	v22 =	vsel vm9, $0x100, v0;
	v24 =	vsel vm10, $0x200, v0;
	v5 =	vor.u32 v19, v5  }
0x6b: {  	v34 =	vld [tilespmem:s21+$0x30];
	v26 =	vsel vm11, $0x400, v0;
	v28 =	vsel vm12, $0x800, v0;
	v5 =	vor.u32 v22, v5  }
0x6c: {  	v30 =	vsel vm13, $0x1000, v0;
	vm15 =	vgt.s32 v4, $0x3F;
	v5 =	vor.u32 v24, v5  }
0x6d: {  	v36 =	vld [tilespmem:s21+$0x40];
	v33 =	vsel vm14, $0x2000, v0;
	vm4 =	vgt.s32 v23, $0x3F;
	v5 =	vor.u32 v26, v5  }
0x6e: {  	v38 =	vld [tilespmem:s21+$0x50];
	vm5 =	vgt.s32 v25, $0x3F;
	vm6 =	vgt.s32 v27, $0x3F;
	v5 =	vor.u32 v28, v5  }
0x6f: {  	v40 =	vld [tilespmem:s21+$0x60];
	vm7 =	vgt.s32 v29, $0x3F;
	vm8 =	vgt.s32 v32, $0x3F;
	v31 =	vor.u32 v30, v5  }
0x70: {  	v42 =	vld [tilespmem:s21+$0x70];
	vm9 =	vgt.s32 v34, $0x3F;
	v11 =	vsel vm4, $0x4000, v0;
	v4 =	vor.u32 v33, v31  }
0x71: {  	vm10 =	vgt.s32 v3, $0x3F;
	v37 =	vsel vm5, $0x8000, v0;
	v4 =	vor.u32 v11, v4  }
0x72: {  	vm11 =	vgt.s32 v36, $0x3F;
	v39 =	vsel vm6, $0x10000, v0;
	v4 =	vor.u32 v37, v4  }
0x73: {  	v44 =	vld [tilespmem:s21+$0x80];
	vm12 =	vgt.s32 v38, $0x3F;
	v41 =	vsel vm7, $0x20000, v0;
	v4 =	vor.u32 v39, v4  }
0x74: {  	v46 =	vld [tilespmem:s21+$0x90];
	vm13 =	vgt.s32 v40, $0x3F;
	v43 =	vsel vm8, $0x40000, v0;
	v4 =	vor.u32 v41, v4  }
0x75: {  	v49 =	vld [tilespmem:s21+$0xA0];
	vm14 =	vgt.s32 v42, $0x3F;
	v45 =	vsel vm9, $0x80000, v0;
	v3 =	vor.u32 v43, v4  }
0x76: {  	v51 =	vld [tilespmem:s21+$0xB0];
	v35 =	vsel vm15, $0x20000000, v0;
	v48 =	vsel vm11, $0x100000, v0;
	v3 =	vor.u32 v45, v3  }
0x77: {  	v47 =	vsel vm10, $0x40000000, v0;
	v50 =	vsel vm12, $0x200000, v0;
	v3 =	vor.u32 v48, v3  }
0x78: {  	v52 =	vsel vm13, $0x400000, v0;
	vm15 =	vgt.s32 v44, $0x3F;
	v3 =	vor.u32 v50, v3  }
0x79: {  	v53 =	vld [tilespmem:s21+$0xC0];
	v54 =	vsel vm14, $0x800000, v0;
	vm4 =	vgt.s32 v46, $0x3F;
	v3 =	vor.u32 v52, v3  }
0x7a: {  	v55 =	vld [tilespmem:s21+$0xD0];
	vm5 =	vgt.s32 v2, $0x3F;
	v56 =	vsel vm15, $0x1000000, v0;
	v3 =	vor.u32 v54, v3  }
0x7b: {  	vm6 =	vgt.s32 v49, $0x3F;
	vm7 =	vgt.s32 v51, $0x3F;
	v2 =	vor.u32 v56, v3;
	v3 =	vld [tilespmem:s21+$0xE0]  }
0x7c: {  	v6 =	vor.u32 v35, v6;
	v57 =	vsel vm4, $0x2000000, v0;
	v58 =	vld [tilespmem:s21+$0xF0];
	v59 =	vsel vm5, $0x80000000, v0  }
0x7d: {  	v61 =	vsel vm7, $0x8000000, v0;
	v60 =	vsel vm6, $0x4000000, v0;
	v2 =	vor.u32 v57, v2  }
0x7e: {  	v6 =	vor.u32 v47, v6;
	vm8 =	vgt.s32 v53, $0x3F;
	v2 =	vor.u32 v60, v2  }
0x7f: {  	vm9 =	vgt.s32 v55, $0x3F;
	v5 =	vsel vm8, $0x10000000, v0;
	v2 =	vor.u32 v61, v2  }
0x80: {  	v4 =	vsel vm9, $0x20000000, v0;
	v2 =	vor.u32 v5, v2;
	vm10 =	vgt.s32 v3, $0x3F  }
0x81: {  	vm11 =	vgt.s32 v58, $0x3F;
	v2 =	vor.u32 v4, v2;
	v3 =	vsel vm10, $0x40000000, v0  }
0x82: {  	s19 =	sshra.s32 s19, $0x2;
	v62 =	vor.u32 v59, v6;
	v2 =	vor.u32 v3, v2;
	v3 =	vsel vm11, $0x80000000, v0  }
0x83: {  	s31 =	sshra.s32 s20, $0x2;
	[tilespmem:s19+$0xA800] =	vst v62;
	v2 =	vor.u32 v3, v2  }
0x84: {  	[tilespmem:s31+$0xA800] =	vst v2  }
0x85: {  	v2 =	vld [tilespmem:$0x7E00]  }
0x86: {  	v3 =	vld [tilespmem:$0x7E10]  }
0x87: {  	v4 =	vld [tilespmem:$0x7E20]  }
0x88: {  	v63 =	vld [tilespmem:$0x7E30];
	_ =	sdelay $0x2  }
0x89: {  	vm12 =	vgt.s32 v2, $0x3F;
	vm13 =	vgt.s32 v3, $0x3F  }
0x8a: {  	vm14 =	vgt.s32 v4, $0x3F;
	v2 =	vsel vm12, $0x1, v0;
	v3 =	vsel vm13, $0x2, v0  }
0x8b: {  	vm15 =	vgt.s32 v63, $0x3F;
	v2 =	vor.u32 v2, v3;
	v3 =	vsel vm14, $0x4, v0  }
0x8c: {  	v2 =	vor.u32 v3, v2;
	v3 =	vsel vm15, $0x8, v0  }
0x8d: {  	v2 =	vor.u32 v3, v2  }
.Ltmp2:
0x8e: {  	[tilespmem:$0xABF0] =	vst v2;
	(pc) =	sbr.rel .LBB2_10-.Ltmp2, $4  }
0x8f: {  	[spmem:s8] =	stream.linear.scatter [tilespmem:s14], [sflag:$0x3], $0x400, $0x38;
	[tilespmem:$0x18E28] =	vst v63  }
0x90: {  	_ =	swait.ge [sflag:s15], $0x400  }
0x91: {  	[sflag:s15] =	ssyncset.done $0x0  }
0x92: {  	[sflag:s15] =	ssyncadd.s32 $0xFFFFFC00  }
.LBB2_2:
0x93: {  	[tilespmem:s19], [sflag:$0x2] =	stream.linear.gather [hbm4b:s7+s19], $0x5400, $0x38;
	[tilespmem:$0x18E28] =	vst v63  }
0x94: {  	_ =	swait.ge [sflag:s13], $0x5400  }
0x95: {  	[sflag:s13] =	ssyncset.done $0x0  }
0x96: {  	s20 =	simm.s32 $0xA810;
	[sflag:s13] =	ssyncadd.s32 $0xFFFFAC00  }
.LBB2_3:
0x97: {  	s21 =	smov.u32 s19  }
0x98: {  	s19 =	sadd.s32 $0x1, s19;
	p1 =	seq.s32 s21, $0x2;
	s21 =	sand.u32 $0x1, s21  }
0x99: {  	s22 =	smul.u32 @!p1 $0x5400, s19;
	p2 =	seq.s32 s21, $0x1  }
0x9a: {  	s21 =	simm.s32 $0x5400;
	s23 =	sand.u32 @!p1 $0x1, s19;
	s24 =	simm.s32 @!p1 $0x0  }
0x9b: {  	s21 =	simm.s32 @!p2 $0x0;
	p2 =	seq.s32 @!p1 s23, $0x1;
	s22 =	sadd.s32 @!p1 s5, s22  }
0x9c: {  	s23 =	simm.s32 @!p1 $0x5400;
	p2 =	por !p2, p1;
	s22 =	sshrl.u32 @!p1 s22, $0x3  }
0x9d: {  	s21 =	sadd.s32 $0x200, s21;
	s23 =	simm.s32 @p2 $0x0;
	s22 =	sadd.s32 @!p1 s1, s22  }
0x9e: {  	[tilespmem:s23], [sflag:$0x2] =	stream.linear.gather @!p1 [hbm4b:s22+s24], $0x5400, $0x38;
	[tilespmem:$0x18E28] =	vst v63  }
0x9f: {  	v2 =	vld [tilespmem:s21+$0x0]  }
0xa0: {  	v3 =	vld [tilespmem:s21+$0x10]  }
0xa1: {  	v4 =	vld [tilespmem:s21+$0x20]  }
0xa2: {  	v5 =	vld [tilespmem:s21+$0x30]  }
0xa3: {  	v6 =	vld [tilespmem:s21+$0x40]  }
0xa4: {  	v7 =	vld [tilespmem:s21+$0x50]  }
0xa5: {  	vm0 =	vgt.s32 v2, $0x3F;
	vm1 =	vgt.s32 v3, $0x3F;
	v2 =	vld [tilespmem:s21+$0x60]  }
0xa6: {  	v3 =	vsel vm0, $0x1, v0;
	v8 =	vsel vm1, $0x2, v0;
	vm0 =	vgt.s32 v4, $0x3F;
	v4 =	vld [tilespmem:s21+$0x70]  }
0xa7: {  	v3 =	vor.u32 v3, v8;
	v8 =	vsel vm0, $0x4, v0;
	vm0 =	vgt.s32 v5, $0x3F;
	v5 =	vld [tilespmem:s21+$0x80]  }
0xa8: {  	v3 =	vor.u32 v8, v3;
	v8 =	vsel vm0, $0x8, v0;
	vm0 =	vgt.s32 v6, $0x3F;
	v6 =	vld [tilespmem:s21+$0x90]  }
0xa9: {  	v3 =	vor.u32 v8, v3;
	v8 =	vsel vm0, $0x10, v0;
	vm0 =	vgt.s32 v7, $0x3F;
	v7 =	vld [tilespmem:s21+$0xA0]  }
0xaa: {  	v3 =	vor.u32 v8, v3;
	v8 =	vsel vm0, $0x20, v0;
	vm0 =	vlt.s32 v2, $0x40;
	v2 =	vld [tilespmem:s21+$0xB0]  }
0xab: {  	v3 =	vor.u32 v8, v3;
	v8 =	vsel vm0, $0x0, v1;
	vm0 =	vgt.s32 v4, $0x3F;
	v4 =	vld [tilespmem:s21+$0xC0]  }
0xac: {  	v3 =	vor.u32 v8, v3;
	v8 =	vsel vm0, $0x80, v0;
	vm0 =	vgt.s32 v5, $0x3F;
	v5 =	vld [tilespmem:s21+$0xD0]  }
0xad: {  	v3 =	vor.u32 v8, v3;
	v8 =	vsel vm0, $0x100, v0;
	vm0 =	vgt.s32 v6, $0x3F;
	v6 =	vld [tilespmem:s21+$0xE0]  }
0xae: {  	v3 =	vor.u32 v8, v3;
	v8 =	vsel vm0, $0x200, v0;
	vm0 =	vgt.s32 v7, $0x3F;
	v7 =	vld [tilespmem:s21+$0xF0]  }
0xaf: {  	v3 =	vor.u32 v8, v3;
	v8 =	vsel vm0, $0x400, v0;
	vm0 =	vgt.s32 v2, $0x3F;
	v2 =	vld [tilespmem:s21+$0x100]  }
0xb0: {  	v3 =	vor.u32 v8, v3;
	v8 =	vsel vm0, $0x800, v0;
	vm0 =	vgt.s32 v4, $0x3F;
	v4 =	vld [tilespmem:s21+$0x110]  }
0xb1: {  	v3 =	vor.u32 v8, v3;
	v8 =	vsel vm0, $0x1000, v0;
	vm0 =	vgt.s32 v5, $0x3F;
	v5 =	vld [tilespmem:s21+$0x120]  }
0xb2: {  	v3 =	vor.u32 v8, v3;
	v8 =	vsel vm0, $0x2000, v0;
	vm0 =	vgt.s32 v6, $0x3F;
	v6 =	vld [tilespmem:s21+$0x130]  }
0xb3: {  	v3 =	vor.u32 v8, v3;
	v8 =	vsel vm0, $0x4000, v0;
	vm0 =	vgt.s32 v7, $0x3F;
	v7 =	vld [tilespmem:s21+$0x140]  }
0xb4: {  	v3 =	vor.u32 v8, v3;
	v8 =	vsel vm0, $0x8000, v0;
	vm0 =	vgt.s32 v2, $0x3F;
	v2 =	vld [tilespmem:s21+$0x150]  }
0xb5: {  	v3 =	vor.u32 v8, v3;
	v8 =	vsel vm0, $0x10000, v0;
	vm0 =	vgt.s32 v4, $0x3F;
	v4 =	vld [tilespmem:s21+$0x160]  }
0xb6: {  	v3 =	vor.u32 v8, v3;
	v8 =	vsel vm0, $0x20000, v0;
	vm0 =	vgt.s32 v5, $0x3F;
	v5 =	vld [tilespmem:s21+$0x170]  }
0xb7: {  	v3 =	vor.u32 v8, v3;
	v8 =	vsel vm0, $0x40000, v0;
	vm0 =	vgt.s32 v6, $0x3F;
	v6 =	vld [tilespmem:s21+$0x180]  }
0xb8: {  	v3 =	vor.u32 v8, v3;
	v8 =	vsel vm0, $0x80000, v0;
	vm0 =	vgt.s32 v7, $0x3F;
	v7 =	vld [tilespmem:s21+$0x190]  }
0xb9: {  	v3 =	vor.u32 v8, v3;
	v8 =	vsel vm0, $0x100000, v0;
	vm0 =	vgt.s32 v2, $0x3F;
	v2 =	vld [tilespmem:s21+$0x1A0]  }
0xba: {  	v3 =	vor.u32 v8, v3;
	v8 =	vsel vm0, $0x200000, v0;
	vm0 =	vgt.s32 v4, $0x3F;
	v4 =	vld [tilespmem:s21+$0x1B0]  }
0xbb: {  	v3 =	vor.u32 v8, v3;
	v8 =	vsel vm0, $0x400000, v0;
	vm0 =	vgt.s32 v5, $0x3F;
	v5 =	vld [tilespmem:s21+$0x1C0]  }
0xbc: {  	v3 =	vor.u32 v8, v3;
	v8 =	vsel vm0, $0x800000, v0;
	vm0 =	vgt.s32 v6, $0x3F;
	v6 =	vld [tilespmem:s21+$0x1D0]  }
0xbd: {  	v3 =	vor.u32 v8, v3;
	v8 =	vsel vm0, $0x1000000, v0;
	vm0 =	vgt.s32 v7, $0x3F;
	v7 =	vld [tilespmem:s21+$0x1E0]  }
0xbe: {  	v9 =	vld [tilespmem:s21+$0xFFFFFE10];
	v3 =	vor.u32 v8, v3;
	v8 =	vsel vm0, $0x2000000, v0;
	vm0 =	vgt.s32 v2, $0x3F  }
0xbf: {  	v2 =	vld [tilespmem:s21+$0x1F0];
	v3 =	vor.u32 v8, v3;
	v8 =	vsel vm0, $0x4000000, v0;
	vm0 =	vgt.s32 v4, $0x3F  }
0xc0: {  	v4 =	vld [tilespmem:s21+$0xFFFFFE00];
	v3 =	vor.u32 v8, v3;
	v8 =	vsel vm0, $0x8000000, v0;
	vm0 =	vgt.s32 v5, $0x3F  }
0xc1: {  	v5 =	vld [tilespmem:s21+$0xFFFFFE20];
	v3 =	vor.u32 v8, v3;
	v8 =	vsel vm0, $0x10000000, v0;
	vm0 =	vgt.s32 v6, $0x3F  }
0xc2: {  	v6 =	vld [tilespmem:s21+$0xFFFFFE30];
	v3 =	vor.u32 v8, v3;
	v8 =	vsel vm0, $0x20000000, v0;
	vm0 =	vgt.s32 v7, $0x3F  }
0xc3: {  	v7 =	vld [tilespmem:s21+$0xFFFFFE40];
	v3 =	vor.u32 v8, v3;
	v8 =	vsel vm0, $0x40000000, v0  }
0xc4: {  	vm1 =	vgt.s32 v9, $0x3F;
	vm0 =	vgt.s32 v2, $0x3F;
	v2 =	vld [tilespmem:s21+$0xFFFFFE50];
	v3 =	vor.u32 v8, v3  }
0xc5: {  	v9 =	vld [tilespmem:s21+$0xFFFFFE60];
	v8 =	vsel vm0, $0x80000000, v0;
	vm0 =	vgt.s32 v4, $0x3F;
	v4 =	vsel vm1, $0x2, v0  }
0xc6: {  	v8 =	vor.u32 v8, v3;
	v3 =	vsel vm0, $0x1, v0;
	vm0 =	vgt.s32 v5, $0x3F;
	v5 =	vld [tilespmem:s21+$0xFFFFFE70]  }
0xc7: {  	v3 =	vor.u32 v3, v4;
	v4 =	vsel vm0, $0x4, v0;
	vm0 =	vgt.s32 v6, $0x3F;
	v6 =	vld [tilespmem:s21+$0xFFFFFE80]  }
0xc8: {  	v3 =	vor.u32 v4, v3;
	v4 =	vsel vm0, $0x8, v0;
	vm0 =	vgt.s32 v7, $0x3F;
	v7 =	vld [tilespmem:s21+$0xFFFFFE90]  }
0xc9: {  	v3 =	vor.u32 v4, v3;
	v4 =	vsel vm0, $0x10, v0;
	vm0 =	vgt.s32 v2, $0x3F;
	v2 =	vld [tilespmem:s21+$0xFFFFFEA0]  }
0xca: {  	v3 =	vor.u32 v4, v3;
	v4 =	vsel vm0, $0x20, v0;
	vm0 =	vlt.s32 v9, $0x40;
	v9 =	vld [tilespmem:s21+$0xFFFFFEB0]  }
0xcb: {  	v3 =	vor.u32 v4, v3;
	v4 =	vsel vm0, $0x0, v1;
	vm0 =	vgt.s32 v5, $0x3F;
	v5 =	vld [tilespmem:s21+$0xFFFFFEC0]  }
0xcc: {  	v3 =	vor.u32 v4, v3;
	v4 =	vsel vm0, $0x80, v0;
	vm0 =	vgt.s32 v6, $0x3F;
	v6 =	vld [tilespmem:s21+$0xFFFFFED0]  }
0xcd: {  	v3 =	vor.u32 v4, v3;
	v4 =	vsel vm0, $0x100, v0;
	vm0 =	vgt.s32 v7, $0x3F;
	v7 =	vld [tilespmem:s21+$0xFFFFFEE0]  }
0xce: {  	v3 =	vor.u32 v4, v3;
	v4 =	vsel vm0, $0x200, v0;
	vm0 =	vgt.s32 v2, $0x3F;
	v2 =	vld [tilespmem:s21+$0xFFFFFEF0]  }
0xcf: {  	v3 =	vor.u32 v4, v3;
	v4 =	vsel vm0, $0x400, v0;
	vm0 =	vgt.s32 v9, $0x3F;
	v9 =	vld [tilespmem:s21+$0xFFFFFF00]  }
0xd0: {  	v3 =	vor.u32 v4, v3;
	v4 =	vsel vm0, $0x800, v0;
	vm0 =	vgt.s32 v5, $0x3F;
	v5 =	vld [tilespmem:s21+$0xFFFFFF10]  }
0xd1: {  	v3 =	vor.u32 v4, v3;
	v4 =	vsel vm0, $0x1000, v0;
	vm0 =	vgt.s32 v6, $0x3F;
	v6 =	vld [tilespmem:s21+$0xFFFFFF20]  }
0xd2: {  	v3 =	vor.u32 v4, v3;
	v4 =	vsel vm0, $0x2000, v0;
	vm0 =	vgt.s32 v7, $0x3F;
	v7 =	vld [tilespmem:s21+$0xFFFFFF30]  }
0xd3: {  	v3 =	vor.u32 v4, v3;
	v4 =	vsel vm0, $0x4000, v0;
	vm0 =	vgt.s32 v2, $0x3F;
	v2 =	vld [tilespmem:s21+$0xFFFFFF40]  }
0xd4: {  	v3 =	vor.u32 v4, v3;
	v4 =	vsel vm0, $0x8000, v0;
	vm0 =	vgt.s32 v9, $0x3F;
	v9 =	vld [tilespmem:s21+$0xFFFFFF50]  }
0xd5: {  	v3 =	vor.u32 v4, v3;
	v4 =	vsel vm0, $0x10000, v0;
	vm0 =	vgt.s32 v5, $0x3F;
	v5 =	vld [tilespmem:s21+$0xFFFFFF60]  }
0xd6: {  	v3 =	vor.u32 v4, v3;
	v4 =	vsel vm0, $0x20000, v0;
	vm0 =	vgt.s32 v6, $0x3F;
	v6 =	vld [tilespmem:s21+$0xFFFFFF70]  }
0xd7: {  	v3 =	vor.u32 v4, v3;
	v4 =	vsel vm0, $0x40000, v0;
	vm0 =	vgt.s32 v7, $0x3F;
	v7 =	vld [tilespmem:s21+$0xFFFFFF80]  }
0xd8: {  	v10 =	vld [tilespmem:s21+$0xFFFFFF90];
	v3 =	vor.u32 v4, v3;
	v4 =	vsel vm0, $0x80000, v0;
	vm0 =	vgt.s32 v2, $0x3F  }
0xd9: {  	v2 =	vor.u32 v4, v3;
	v3 =	vsel vm0, $0x100000, v0;
	vm0 =	vgt.s32 v9, $0x3F;
	v9 =	vld [tilespmem:s21+$0xFFFFFFA0]  }
0xda: {  	v3 =	vor.u32 v3, v2;
	v4 =	vsel vm0, $0x200000, v0;
	vm0 =	vgt.s32 v5, $0x3F;
	v2 =	vld [tilespmem:s21+$0xFFFFFFB0]  }
0xdb: {  	v4 =	vor.u32 v4, v3;
	v5 =	vsel vm0, $0x400000, v0;
	vm0 =	vgt.s32 v6, $0x3F;
	v3 =	vld [tilespmem:s21+$0xFFFFFFC0]  }
0xdc: {  	v5 =	vor.u32 v5, v4;
	v6 =	vsel vm0, $0x800000, v0;
	vm0 =	vgt.s32 v7, $0x3F;
	v4 =	vld [tilespmem:s21+$0xFFFFFFD0]  }
0xdd: {  	v6 =	vor.u32 v6, v5;
	v7 =	vsel vm0, $0x1000000, v0;
	vm0 =	vgt.s32 v10, $0x3F;
	v5 =	vld [tilespmem:s21+$0xFFFFFFE0]  }
0xde: {  	s22 =	simm.s32 $0x0;
	s23 =	sadd.s32 $0x400, s21;
	[tilespmem:s20+$0x0] =	vst v8;
	v7 =	vor.u32 v7, v6;
	v8 =	vsel vm0, $0x2000000, v0;
	vm0 =	vgt.s32 v9, $0x3F;
	v6 =	vld [tilespmem:s21+$0xFFFFFFF0];
	s21 =	smov.u32 s20  }
.LBB2_4:
0xdf: {  	v9 =	vld [tilespmem:s23+$0x0];
	v7 =	vor.u32 v8, v7;
	v8 =	vsel vm0, $0x4000000, v0;
	vm0 =	vgt.s32 v2, $0x3F  }
0xe0: {  	s22 =	sadd.s32 $0x2, s22;
	v2 =	vld [tilespmem:s23+$0x10];
	v7 =	vor.u32 v8, v7;
	v8 =	vsel vm0, $0x8000000, v0;
	vm0 =	vgt.s32 v3, $0x3F  }
0xe1: {  	p2 =	slt.u32 s22, $0x28;
	v3 =	vld [tilespmem:s23+$0x20];
	v7 =	vor.u32 v8, v7;
	v8 =	vsel vm0, $0x10000000, v0;
	vm0 =	vgt.s32 v4, $0x3F  }
0xe2: {  	v4 =	vld [tilespmem:s23+$0x30];
	v7 =	vor.u32 v8, v7;
	v8 =	vsel vm0, $0x20000000, v0;
	vm0 =	vgt.s32 v5, $0x3F  }
0xe3: {  	v5 =	vld [tilespmem:s23+$0x40];
	v7 =	vor.u32 v8, v7;
	v8 =	vsel vm0, $0x40000000, v0;
	vm0 =	vgt.s32 v6, $0x3F  }
0xe4: {  	v6 =	vld [tilespmem:s23+$0x50];
	v7 =	vor.u32 v8, v7;
	v8 =	vsel vm0, $0x80000000, v0  }
0xe5: {  	vm0 =	vgt.s32 v9, $0x3F;
	vm1 =	vgt.s32 v2, $0x3F;
	v2 =	vld [tilespmem:s23+$0x60];
	v7 =	vor.u32 v8, v7  }
0xe6: {  	v8 =	vsel vm0, $0x1, v0;
	v9 =	vsel vm1, $0x2, v0;
	vm0 =	vgt.s32 v3, $0x3F;
	v3 =	vld [tilespmem:s23+$0x70];
	[tilespmem:s21+$0xFFFFFFF0] =	vst v7  }
0xe7: {  	v7 =	vor.u32 v8, v9;
	v8 =	vsel vm0, $0x4, v0;
	vm0 =	vgt.s32 v4, $0x3F;
	v4 =	vld [tilespmem:s23+$0x80]  }
0xe8: {  	v7 =	vor.u32 v8, v7;
	v8 =	vsel vm0, $0x8, v0;
	vm0 =	vgt.s32 v5, $0x3F;
	v5 =	vld [tilespmem:s23+$0x90]  }
0xe9: {  	v7 =	vor.u32 v8, v7;
	v8 =	vsel vm0, $0x10, v0;
	vm0 =	vgt.s32 v6, $0x3F;
	v6 =	vld [tilespmem:s23+$0xA0]  }
0xea: {  	v7 =	vor.u32 v8, v7;
	v8 =	vsel vm0, $0x20, v0;
	vm0 =	vlt.s32 v2, $0x40;
	v2 =	vld [tilespmem:s23+$0xB0]  }
0xeb: {  	v7 =	vor.u32 v8, v7;
	v8 =	vsel vm0, $0x0, v1;
	vm0 =	vgt.s32 v3, $0x3F;
	v3 =	vld [tilespmem:s23+$0xC0]  }
0xec: {  	v7 =	vor.u32 v8, v7;
	v8 =	vsel vm0, $0x80, v0;
	vm0 =	vgt.s32 v4, $0x3F;
	v4 =	vld [tilespmem:s23+$0xD0]  }
0xed: {  	v7 =	vor.u32 v8, v7;
	v8 =	vsel vm0, $0x100, v0;
	vm0 =	vgt.s32 v5, $0x3F;
	v5 =	vld [tilespmem:s23+$0xE0]  }
0xee: {  	v7 =	vor.u32 v8, v7;
	v8 =	vsel vm0, $0x200, v0;
	vm0 =	vgt.s32 v6, $0x3F;
	v6 =	vld [tilespmem:s23+$0xF0]  }
0xef: {  	v7 =	vor.u32 v8, v7;
	v8 =	vsel vm0, $0x400, v0;
	vm0 =	vgt.s32 v2, $0x3F;
	v2 =	vld [tilespmem:s23+$0x100]  }
0xf0: {  	v7 =	vor.u32 v8, v7;
	v8 =	vsel vm0, $0x800, v0;
	vm0 =	vgt.s32 v3, $0x3F;
	v3 =	vld [tilespmem:s23+$0x110]  }
0xf1: {  	v7 =	vor.u32 v8, v7;
	v8 =	vsel vm0, $0x1000, v0;
	vm0 =	vgt.s32 v4, $0x3F;
	v4 =	vld [tilespmem:s23+$0x120]  }
0xf2: {  	v7 =	vor.u32 v8, v7;
	v8 =	vsel vm0, $0x2000, v0;
	vm0 =	vgt.s32 v5, $0x3F;
	v5 =	vld [tilespmem:s23+$0x130]  }
0xf3: {  	v7 =	vor.u32 v8, v7;
	v8 =	vsel vm0, $0x4000, v0;
	vm0 =	vgt.s32 v6, $0x3F;
	v6 =	vld [tilespmem:s23+$0x140]  }
0xf4: {  	v7 =	vor.u32 v8, v7;
	v8 =	vsel vm0, $0x8000, v0;
	vm0 =	vgt.s32 v2, $0x3F;
	v2 =	vld [tilespmem:s23+$0x150]  }
0xf5: {  	v7 =	vor.u32 v8, v7;
	v8 =	vsel vm0, $0x10000, v0;
	vm0 =	vgt.s32 v3, $0x3F;
	v3 =	vld [tilespmem:s23+$0x160]  }
0xf6: {  	v7 =	vor.u32 v8, v7;
	v8 =	vsel vm0, $0x20000, v0;
	vm0 =	vgt.s32 v4, $0x3F;
	v4 =	vld [tilespmem:s23+$0x170]  }
0xf7: {  	v7 =	vor.u32 v8, v7;
	v8 =	vsel vm0, $0x40000, v0;
	vm0 =	vgt.s32 v5, $0x3F;
	v5 =	vld [tilespmem:s23+$0x180]  }
0xf8: {  	v7 =	vor.u32 v8, v7;
	v8 =	vsel vm0, $0x80000, v0;
	vm0 =	vgt.s32 v6, $0x3F;
	v6 =	vld [tilespmem:s23+$0x190]  }
0xf9: {  	v7 =	vor.u32 v8, v7;
	v8 =	vsel vm0, $0x100000, v0;
	vm0 =	vgt.s32 v2, $0x3F;
	v2 =	vld [tilespmem:s23+$0x1A0]  }
0xfa: {  	v7 =	vor.u32 v8, v7;
	v8 =	vsel vm0, $0x200000, v0;
	vm0 =	vgt.s32 v3, $0x3F;
	v3 =	vld [tilespmem:s23+$0x1B0]  }
0xfb: {  	v7 =	vor.u32 v8, v7;
	v8 =	vsel vm0, $0x400000, v0;
	vm0 =	vgt.s32 v4, $0x3F;
	v4 =	vld [tilespmem:s23+$0x1C0]  }
0xfc: {  	v7 =	vor.u32 v8, v7;
	v8 =	vsel vm0, $0x800000, v0;
	vm0 =	vgt.s32 v5, $0x3F;
	v5 =	vld [tilespmem:s23+$0x1D0]  }
0xfd: {  	v7 =	vor.u32 v8, v7;
	v8 =	vsel vm0, $0x1000000, v0;
	vm0 =	vgt.s32 v6, $0x3F;
	v6 =	vld [tilespmem:s23+$0x1E0]  }
0xfe: {  	v7 =	vor.u32 v8, v7;
	v8 =	vsel vm0, $0x2000000, v0;
	vm0 =	vgt.s32 v2, $0x3F;
	v2 =	vld [tilespmem:s23+$0x1F0]  }
0xff: {  	v9 =	vld [tilespmem:s23+$0xFFFFFE10];
	v7 =	vor.u32 v8, v7;
	v8 =	vsel vm0, $0x4000000, v0;
	vm0 =	vgt.s32 v3, $0x3F  }
0x100: {  	v3 =	vld [tilespmem:s23+$0xFFFFFE00];
	v7 =	vor.u32 v8, v7;
	v8 =	vsel vm0, $0x8000000, v0;
	vm0 =	vgt.s32 v4, $0x3F  }
0x101: {  	v4 =	vld [tilespmem:s23+$0xFFFFFE20];
	v7 =	vor.u32 v8, v7;
	v8 =	vsel vm0, $0x10000000, v0;
	vm0 =	vgt.s32 v5, $0x3F  }
0x102: {  	v5 =	vld [tilespmem:s23+$0xFFFFFE30];
	v7 =	vor.u32 v8, v7;
	v8 =	vsel vm0, $0x20000000, v0;
	vm0 =	vgt.s32 v6, $0x3F  }
0x103: {  	v6 =	vld [tilespmem:s23+$0xFFFFFE40];
	v7 =	vor.u32 v8, v7;
	v8 =	vsel vm0, $0x40000000, v0;
	vm0 =	vgt.s32 v2, $0x3F  }
0x104: {  	vm1 =	vgt.s32 v9, $0x3F;
	v2 =	vld [tilespmem:s23+$0xFFFFFE50];
	v7 =	vor.u32 v8, v7;
	v8 =	vsel vm0, $0x80000000, v0  }
0x105: {  	s21 =	sadd.s32 $0x20, s21;
	vm0 =	vgt.s32 v3, $0x3F;
	v3 =	vsel vm1, $0x2, v0;
	v9 =	vld [tilespmem:s23+$0xFFFFFE60];
	v7 =	vor.u32 v8, v7  }
0x106: {  	v8 =	vsel vm0, $0x1, v0;
	vm0 =	vgt.s32 v4, $0x3F;
	v4 =	vld [tilespmem:s23+$0xFFFFFE70];
	[tilespmem:s21+$0x0] =	vst v7  }
0x107: {  	v3 =	vor.u32 v8, v3;
	v7 =	vsel vm0, $0x4, v0;
	vm0 =	vgt.s32 v5, $0x3F;
	v5 =	vld [tilespmem:s23+$0xFFFFFE80]  }
0x108: {  	v3 =	vor.u32 v7, v3;
	v7 =	vsel vm0, $0x8, v0;
	vm0 =	vgt.s32 v6, $0x3F;
	v6 =	vld [tilespmem:s23+$0xFFFFFE90]  }
0x109: {  	v3 =	vor.u32 v7, v3;
	v7 =	vsel vm0, $0x10, v0;
	vm0 =	vgt.s32 v2, $0x3F;
	v2 =	vld [tilespmem:s23+$0xFFFFFEA0]  }
0x10a: {  	v3 =	vor.u32 v7, v3;
	v7 =	vsel vm0, $0x20, v0;
	vm0 =	vlt.s32 v9, $0x40;
	v8 =	vld [tilespmem:s23+$0xFFFFFEB0]  }
0x10b: {  	v3 =	vor.u32 v7, v3;
	v7 =	vsel vm0, $0x0, v1;
	vm0 =	vgt.s32 v4, $0x3F;
	v4 =	vld [tilespmem:s23+$0xFFFFFEC0]  }
0x10c: {  	v3 =	vor.u32 v7, v3;
	v7 =	vsel vm0, $0x80, v0;
	vm0 =	vgt.s32 v5, $0x3F;
	v5 =	vld [tilespmem:s23+$0xFFFFFED0]  }
0x10d: {  	v3 =	vor.u32 v7, v3;
	v7 =	vsel vm0, $0x100, v0;
	vm0 =	vgt.s32 v6, $0x3F;
	v6 =	vld [tilespmem:s23+$0xFFFFFEE0]  }
0x10e: {  	v3 =	vor.u32 v7, v3;
	v7 =	vsel vm0, $0x200, v0;
	vm0 =	vgt.s32 v2, $0x3F;
	v2 =	vld [tilespmem:s23+$0xFFFFFEF0]  }
0x10f: {  	v3 =	vor.u32 v7, v3;
	v7 =	vsel vm0, $0x400, v0;
	vm0 =	vgt.s32 v8, $0x3F;
	v8 =	vld [tilespmem:s23+$0xFFFFFF00]  }
0x110: {  	v3 =	vor.u32 v7, v3;
	v7 =	vsel vm0, $0x800, v0;
	vm0 =	vgt.s32 v4, $0x3F;
	v4 =	vld [tilespmem:s23+$0xFFFFFF10]  }
0x111: {  	v3 =	vor.u32 v7, v3;
	v7 =	vsel vm0, $0x1000, v0;
	vm0 =	vgt.s32 v5, $0x3F;
	v5 =	vld [tilespmem:s23+$0xFFFFFF20]  }
0x112: {  	v3 =	vor.u32 v7, v3;
	v7 =	vsel vm0, $0x2000, v0;
	vm0 =	vgt.s32 v6, $0x3F;
	v6 =	vld [tilespmem:s23+$0xFFFFFF30]  }
0x113: {  	v3 =	vor.u32 v7, v3;
	v7 =	vsel vm0, $0x4000, v0;
	vm0 =	vgt.s32 v2, $0x3F;
	v2 =	vld [tilespmem:s23+$0xFFFFFF40]  }
0x114: {  	v3 =	vor.u32 v7, v3;
	v7 =	vsel vm0, $0x8000, v0;
	vm0 =	vgt.s32 v8, $0x3F;
	v8 =	vld [tilespmem:s23+$0xFFFFFF50]  }
0x115: {  	v3 =	vor.u32 v7, v3;
	v7 =	vsel vm0, $0x10000, v0;
	vm0 =	vgt.s32 v4, $0x3F;
	v4 =	vld [tilespmem:s23+$0xFFFFFF60]  }
0x116: {  	v3 =	vor.u32 v7, v3;
	v7 =	vsel vm0, $0x20000, v0;
	vm0 =	vgt.s32 v5, $0x3F;
	v5 =	vld [tilespmem:s23+$0xFFFFFF70]  }
0x117: {  	v3 =	vor.u32 v7, v3;
	v7 =	vsel vm0, $0x40000, v0;
	vm0 =	vgt.s32 v6, $0x3F;
	v6 =	vld [tilespmem:s23+$0xFFFFFF80]  }
0x118: {  	v3 =	vor.u32 v7, v3;
	v7 =	vsel vm0, $0x80000, v0;
	vm0 =	vgt.s32 v2, $0x3F;
	v9 =	vld [tilespmem:s23+$0xFFFFFF90]  }
0x119: {  	v2 =	vor.u32 v7, v3;
	v3 =	vsel vm0, $0x100000, v0;
	vm0 =	vgt.s32 v8, $0x3F;
	v10 =	vld [tilespmem:s23+$0xFFFFFFA0]  }
.Ltmp3:
0x11a: {  	v3 =	vor.u32 v3, v2;
	v7 =	vsel vm0, $0x200000, v0;
	vm0 =	vgt.s32 v4, $0x3F;
	v2 =	vld [tilespmem:s23+$0xFFFFFFB0];
	(pc) =	sbr.rel @p2 .LBB2_4-.Ltmp3, $4  }
0x11b: {  	v4 =	vor.u32 v7, v3;
	v7 =	vsel vm0, $0x400000, v0;
	vm0 =	vgt.s32 v5, $0x3F;
	v3 =	vld [tilespmem:s23+$0xFFFFFFC0]  }
0x11c: {  	v5 =	vor.u32 v7, v4;
	v7 =	vsel vm0, $0x800000, v0;
	vm0 =	vgt.s32 v6, $0x3F;
	v4 =	vld [tilespmem:s23+$0xFFFFFFD0]  }
0x11d: {  	v6 =	vor.u32 v7, v5;
	v7 =	vsel vm0, $0x1000000, v0;
	vm0 =	vgt.s32 v9, $0x3F;
	v5 =	vld [tilespmem:s23+$0xFFFFFFE0]  }
0x11e: {  	v7 =	vor.u32 v7, v6;
	v8 =	vsel vm0, $0x2000000, v0;
	vm0 =	vgt.s32 v10, $0x3F;
	v6 =	vld [tilespmem:s23+$0xFFFFFFF0];
	s23 =	sadd.s32 $0x400, s23  }
0x11f: {  	v7 =	vor.u32 v8, v7;
	v62 =	vsel vm0, $0x4000000, v0;
	vm11 =	vgt.s32 v2, $0x3F  }
0x120: {  	v2 =	vor.u32 v62, v7;
	v63 =	vsel vm11, $0x8000000, v0;
	vm12 =	vgt.s32 v3, $0x3F  }
0x121: {  	v2 =	vor.u32 v63, v2;
	v3 =	vsel vm12, $0x10000000, v0;
	vm13 =	vgt.s32 v4, $0x3F  }
0x122: {  	v2 =	vor.u32 v3, v2;
	v3 =	vsel vm13, $0x20000000, v0;
	vm14 =	vgt.s32 v5, $0x3F  }
0x123: {  	p2 =	sne.s32 @!p1 s19, $0x3;
	v2 =	vor.u32 v3, v2;
	v3 =	vsel vm14, $0x40000000, v0;
	vm15 =	vgt.s32 v6, $0x3F  }
0x124: {  	p2 =	por p1, !p2;
	v2 =	vor.u32 v3, v2;
	v3 =	vsel vm15, $0x80000000, v0  }
.Ltmp4:
0x125: {  	v2 =	vor.u32 v3, v2;
	(pc) =	sbr.rel @!p2 .LBB2_3-.Ltmp4, $4  }
0x126: {  	[tilespmem:s21+$0xFFFFFFF0] =	vst v2;
	s21 =	simm.s32 @!p1 $0x2  }
0x127: {  	_ =	swait.ge @!p1 [sflag:s21], $0x5400  }
0x128: {  	[sflag:s21] =	ssyncset.done @!p1 $0x0  }
0x129: {  	s20 =	sadd.s32 @!p1 $0x2A0, s20;
	[sflag:s21] =	ssyncadd.s32 @!p1 $0xFFFFAC00  }
0x12a: {  	[spmem:s8] =	stream.linear.scatter [tilespmem:s14], [sflag:$0x3], $0x7E0, $0x38;
	[tilespmem:$0x18E28] =	vst v63  }
0x12b: {  	_ =	swait.ge [sflag:s15], $0x7E0  }
0x12c: {  	[sflag:s15] =	ssyncset.done $0x0  }
0x12d: {  	[sflag:s15] =	ssyncadd.s32 $0xFFFFF820  }
.LBB2_10:
0x12e: {  	[bflag:$0x0] =	sbarrier.arrive $0xFFFF  }
0x12f: {  	[tilespmem:s14], [sflag:$0x3] =	stream.linear.gather [spmem:s3], $0x7A80, $0x38;
	[tilespmem:$0x18E28] =	vst v63  }
0x130: {  	_ =	swait.ge [sflag:s15], $0x7A80  }
0x131: {  	[sflag:s15] =	ssyncset.done $0x0  }
0x132: {  	[sflag:s15] =	ssyncadd.s32 $0xFFFF8580  }
0x133: {  	_ =	swait.ge [sflag:s16], $0x3200  }
0x134: {  	[sflag:s16] =	ssyncset.done $0x0  }
0x135: {  	s19 =	simm.s32 $0x122A0;
	[sflag:s16] =	ssyncadd.s32 $0xFFFFCE00  }
0x136: {  	v9 =	vld [tilespmem:s19+$0x10]  }
0x137: {  	v5 =	vld [tilespmem:s19+$0x0]  }
0x138: {  	v6 =	vld [tilespmem:s19+$0xFFFFFFE0]  }
0x139: {  	v4 =	vld [tilespmem:s19+$0xFFFFFFF0];
	_ =	sdelay $0x1  }
0x13a: {  	v2 =	vshra.s32 v9, $0x5  }
0x13b: {  	v3 =	vand.u32 $0xF, v9;
	v2 =	vand.u32 $0xFFFFFFF0, v2  }
0x13c: {  	v8 =	vshra.s32 v5, $0x5;
	v10 =	vshra.s32 v6, $0x5;
	v3 =	vor.u32 v3, v2  }
0x13d: {  	v11 =	vand.u32 $0xF, v6;
	v12 =	vand.u32 $0xF, v4;
	v14 =	vand.u32 $0xF, v5  }
0x13e: {  	s31 =	simm.s32 $0x122E0;
	v6 =	vshrl.u32 v6, $0x4;
	v8 =	vand.u32 $0xFFFFFFF0, v8;
	v2 =	vshra.s32 v4, $0x5  }
0x13f: {  	v16 =	vor.u32 v14, v8;
	v8 =	vshrl.u32 v4, $0x4;
	v7 =	vand.u32 $0xFFFFFFF0, v2;
	v2 =	vld [tilespmem:s31+$0x10]  }
0x140: {  	v10 =	vand.u32 $0xFFFFFFF0, v10;
	v4 =	vand.u32 $0x1F, v6;
	v6 =	vand.u32 $0x1F, v8;
	v8 =	vld [tilespmem:s31+$0xFFFFFFE0]  }
0x141: {  	v10 =	vor.u32 v11, v10;
	v13 =	vld.idx.msk [tilespmem:v3+s14+$0x0], $0xffff  }
0x142: {  	v11 =	vor.u32 v12, v7;
	v7 =	vld [tilespmem:s31+$0x0]  }
0x143: {  	v3 =	vld [tilespmem:s31+$0xFFFFFFF0]  }
0x144: {  	v9 =	vshrl.u32 v9, $0x4;
	v12 =	vshra.s32 v2, $0x5  }
0x145: {  	v9 =	vand.u32 $0x1F, v9;
	v14 =	vand.u32 $0xF, v2;
	v12 =	vand.u32 $0xFFFFFFF0, v12  }
0x146: {  	v5 =	vshrl.u32 v5, $0x4;
	v12 =	vor.u32 v14, v12;
	v14 =	vshrl.u32 v13, v9;
	v9 =	vld.idx.msk [tilespmem:v10+s14+$0x0], $0xffff  }
0x147: {  	v5 =	vand.u32 $0x1F, v5;
	v19 =	vshra.s32 v8, $0x5;
	v10 =	vld.idx.msk [tilespmem:v11+s14+$0x0], $0xffff  }
0x148: {  	v17 =	vshra.s32 v7, $0x5;
	v15 =	vshra.s32 v3, $0x5;
	v11 =	vld.idx.msk [tilespmem:v16+s14+$0x0], $0xffff;
	v16 =	vand.u32 $0xFFFFFFF0, v19  }
0x149: {  	s19 =	simm.s32 $0x154A0;
	v13 =	vand.u32 $0xFFFFFFF0, v15;
	v18 =	vand.u32 $0x1, v14;
	v15 =	vand.u32 $0xF, v8  }
0x14a: {  	s20 =	simm.s32 $0x4;
	s21 =	simm.s32 $0x12320;
	v14 =	vand.u32 $0xFFFFFFF0, v17;
	v17 =	vand.u32 $0xF, v3;
	[tilespmem:s19+$0x10] =	vst v18;
	v18 =	vand.u32 $0xF, v7  }
.LBB2_11:
0x14b: {  	v19 =	vld [tilespmem:s21+$0x10];
	s20 =	sadd.s32 $0x4, s20;
	v15 =	vor.u32 v15, v16;
	v13 =	vor.u32 v17, v13;
	v14 =	vor.u32 v18, v14  }
0x14c: {  	v8 =	vshrl.u32 v8, $0x4;
	v16 =	vshrl.u32 v3, $0x4;
	v7 =	vshrl.u32 v7, $0x4;
	p1 =	slt.u32 s20, $0x31C;
	v17 =	vld.idx.msk [tilespmem:v12+s14+$0x0], $0xffff  }
0x14d: {  	v8 =	vand.u32 $0x1F, v8;
	v12 =	vand.u32 $0x1F, v16;
	v16 =	vand.u32 $0x1F, v7;
	v3 =	vld [tilespmem:s21+$0xFFFFFFF0]  }
0x14e: {  	v9 =	vshrl.u32 v9, v4;
	v20 =	vshrl.u32 v10, v6;
	v21 =	vshrl.u32 v11, v5;
	v4 =	vmovc v8;
	v7 =	vld [tilespmem:s21+$0x0]  }
0x14f: {  	v10 =	vand.u32 $0x1, v9;
	v11 =	vand.u32 $0x1, v20;
	v18 =	vand.u32 $0x1, v21;
	v6 =	vmovc v12;
	v5 =	vmovc v16;
	v8 =	vld [tilespmem:s21+$0xFFFFFFE0]  }
0x150: {  	v12 =	vshra.s32 v19, $0x5;
	v9 =	vld.idx.msk [tilespmem:v15+s14+$0x0], $0xffff;
	v15 =	vshrl.u32 v2, $0x4;
	[tilespmem:s19+$0xFFFFFFE0] =	vst v10;
	v2 =	vmov v19  }
.Ltmp5:
0x151: {  	v16 =	vand.u32 $0xF, v2;
	v12 =	vand.u32 $0xFFFFFFF0, v12;
	v10 =	vld.idx.msk [tilespmem:v13+s14+$0x0], $0xffff;
	v13 =	vand.u32 $0x1F, v15;
	[tilespmem:s19+$0xFFFFFFF0] =	vst v11;
	(pc) =	sbr.rel @p1 .LBB2_11-.Ltmp5, $4  }
0x152: {  	v15 =	vshra.s32 v3, $0x5;
	v12 =	vor.u32 v16, v12;
	v11 =	vld.idx.msk [tilespmem:v14+s14+$0x0], $0xffff;
	v14 =	vshrl.u32 v17, v13;
	[tilespmem:s19+$0x0] =	vst v18  }
0x153: {  	s19 =	sadd.s32 $0x40, s19;
	v13 =	vand.u32 $0xFFFFFFF0, v15;
	v16 =	vshra.s32 v7, $0x5;
	v17 =	vand.u32 $0x1, v14  }
0x154: {  	v18 =	vshra.s32 v8, $0x5;
	v15 =	vand.u32 $0xF, v8;
	v14 =	vand.u32 $0xFFFFFFF0, v16;
	[tilespmem:s19+$0x10] =	vst v17  }
0x155: {  	s21 =	sadd.s32 $0x40, s21;
	v17 =	vand.u32 $0xF, v3;
	v16 =	vand.u32 $0xFFFFFFF0, v18;
	v18 =	vand.u32 $0xF, v7  }
0x156: {  	v15 =	vor.u32 v15, v16  }
0x157: {  	v13 =	vor.u32 v17, v13  }
0x158: {  	v14 =	vor.u32 v18, v14;
	_ =	sdelay $0x1  }
0x159: {  	v12 =	vld.idx.msk [tilespmem:v12+s14+$0x0], $0xffff  }
0x15a: {  	v8 =	vshrl.u32 v8, $0x4;
	v15 =	vld.idx.msk [tilespmem:v15+s14+$0x0], $0xffff  }
0x15b: {  	v3 =	vshrl.u32 v3, $0x4;
	v7 =	vshrl.u32 v7, $0x4;
	v4 =	vshrl.u32 v9, v4;
	v59 =	vld.idx.msk [tilespmem:v13+s14+$0x0], $0xffff  }
0x15c: {  	v6 =	vshrl.u32 v10, v6;
	v2 =	vshrl.u32 v2, $0x4;
	v4 =	vand.u32 $0x1, v4;
	v60 =	vld.idx.msk [tilespmem:v14+s14+$0x0], $0xffff  }
0x15d: {  	v5 =	vshrl.u32 v11, v5;
	v6 =	vand.u32 $0x1, v6;
	v2 =	vand.u32 $0x1F, v2;
	[tilespmem:s19+$0xFFFFFFE0] =	vst v4  }
0x15e: {  	v61 =	vand.u32 $0x1F, v8;
	v5 =	vand.u32 $0x1, v5;
	[tilespmem:s19+$0xFFFFFFF0] =	vst v6;
	v2 =	vshrl.u32 v12, v2  }
0x15f: {  	s31 =	sadd.s32 $0x40, s19;
	v3 =	vand.u32 $0x1F, v3;
	[tilespmem:s19+$0x0] =	vst v5;
	v2 =	vand.u32 $0x1, v2;
	v4 =	vshrl.u32 v15, v61  }
0x160: {  	v62 =	vand.u32 $0x1F, v7;
	[tilespmem:s31+$0x10] =	vst v2;
	v2 =	vshrl.u32 v59, v3;
	v3 =	vand.u32 $0x1, v4  }
0x161: {  	s18 =	sadd.s32 $0x1, s18;
	v63 =	vshrl.u32 v60, v62;
	v2 =	vand.u32 $0x1, v2;
	[tilespmem:s31+$0xFFFFFFE0] =	vst v3  }
0x162: {  	p1 =	sne.s32 s18, s11;
	v3 =	vand.u32 $0x1, v63;
	[tilespmem:s31+$0xFFFFFFF0] =	vst v2  }
.Ltmp6:
0x163: {  	[tilespmem:s31+$0x0] =	vst v3;
	(pc) =	sbr.rel @p1 .LBB2_1-.Ltmp6, $4  }
0x164: {  	[hbm4b:s10+s4] =	stream.linear.scatter [tilespmem:s17], [sflag:$0x3], $0x3200, $0x38;
	[tilespmem:$0x18E28] =	vst v63  }
0x165: {  	_ =	swait.ge [sflag:s15], $0x3200  }
0x166: {  	[sflag:s15] =	ssyncset.done $0x0  }
0x167: {  	[sflag:s15] =	ssyncadd.s32 $0xFFFFCE00  }
0x168: {  	_ =	sfence.sel $0x180000  }
0x169: {  	[bflag:$0x0] =	sbarrier.arrive $0xFFFF  }
0x16a: {  	p0 =	sne.s32 s0, $0x0;
	_ =	strace $0x90000047  }
0x16b: {  	s0 =	sadd.s32 @!p0 $0x100000, s2;
	[bflag:$0x2] =	sbarrier.arrive $0xFFFF  }
0x16c: {  	[sflag:s0] =	ssyncadd.tile.s32 @!p0 $0x1;
	_ =	shalt  }
.Lfunc_end2:
_tile_overlayer_lowered:
.L_overlay_start_2:
0x16d: {  	(tag) =	ssettag $0x2  }
0x16e: {  	s0 =	rddreg [dreg:$0x0];
	s2 =	stileid.u32  }
0x16f: {  	s1 =	rddreg [dreg:$0x1];
	p0 =	sne.s32 s2, $0x0  }
0x170: {  	s3 =	rddreg [dreg:$0x2];
	[bflag:$0x3] =	sbarrier.arrive $0xFFFF;
	s2 =	simm.s32 @!p0 $0x1C03  }
0x171: {  	[timem:s3], [sflag:s2] =	dma.local @!p0 [hbm:s0], s1  }
0x172: {  	s0 =	simm.s32 @!p0 $0x3  }
0x173: {  	_ =	swait.ge @!p0 [sflag:s0], s1  }
0x174: {  	s1 =	ssub.s32 @!p0 $0x0, s1;
	[sflag:s0] =	ssyncset.done @!p0 $0x0  }
0x175: {  	[sflag:s0] =	ssyncadd.s32 @!p0 s1  }
0x176: {  	[bflag:$0x3] =	sbarrier.arrive $0xFFFF  }
0x177: {  	_ =	shalt  }

</sc_bundles>
